<compile_context>
chip_gen: v7x
topology: tpu7x:2x2x1
jax: 0.10.2.dev20260603
libtpu: 0.0.44.dev20260713+nightly
codegen_flags: <defaults>
</compile_context>

<pallas_src>
import jax
import jax.numpy as jnp
from jax import lax
from jax.experimental import pallas as pl
from jax.experimental.pallas import tpu as pltpu
from jax.experimental.pallas import tpu_sc as plsc

N = 10000
E = 160000
F_IN = 256
H = 256
C = 40

FH = 128
CP = 128
B_EDGE = 128
E_PAD = 163840
N_ROWS_IDX = E_PAD // B_EDGE
N_SUBCORES = 16
N_CORES = 2
CHUNKS_L1 = N_ROWS_IDX // N_SUBCORES
HALF_L1 = CHUNKS_L1 // 2
CHUNKS_L2 = N_ROWS_IDX // (N_SUBCORES * N_CORES)
STAGE = 40
N_PAD = 10112
ROWS_PER_TILE = N_PAD // N_SUBCORES

_MESH = plsc.VectorSubcoreMesh(core_axis_name="c", subcore_axis_name="s")



CNT_ROWS = 80


def _cnt_body(dst_hbm, zc,
              cnt_a, cnt_b,
              dst_v, lcnt_v, idx_v, cacc):
    cid = lax.axis_index("c")
    sid = lax.axis_index("s")
    wid = sid * N_CORES + cid
    r0 = wid * CHUNKS_L2
    pltpu.sync_copy(dst_hbm.at[pl.ds(r0, CHUNKS_L2)], dst_v)
    pltpu.sync_copy(zc, lcnt_v)
    for k in range(CNT_ROWS // 16):
        idx_v[0, pl.ds(16 * k, 16)] = lax.iota(jnp.int32, 16) + (16 * k)

    @pl.when(sid == 0)
    def _():
        pltpu.sync_copy(zc, cacc)

    plsc.subcore_barrier()
    ones = jnp.full((16,), 1.0, jnp.float32)

    def body(j, carry):
        for k in range(8):
            d = dst_v[j, pl.ds(16 * k, 16)]
            plsc.addupdate_scatter(
                lcnt_v, [lax.shift_right_logical(d, 7), d & 127], ones)
        return carry
    lax.fori_loop(0, CHUNKS_L2, body, 0)

    pltpu.sync_copy(lcnt_v, cacc.at[idx_v.at[0]], add=True)
    plsc.subcore_barrier()

    @pl.when((cid == 0) & (sid == 0))
    def _():
        pltpu.sync_copy(cacc, cnt_a)

    @pl.when((cid == 1) & (sid == 0))
    def _():
        pltpu.sync_copy(cacc, cnt_b)


_cnt_aggregate = pl.kernel(
    _cnt_body,
    out_type=[
        jax.ShapeDtypeStruct((CNT_ROWS, 128), jnp.float32),
        jax.ShapeDtypeStruct((CNT_ROWS, 128), jnp.float32),
    ],
    mesh=_MESH,
    compiler_params=pltpu.CompilerParams(needs_layout_passes=False),
    scratch_types=[
        pltpu.VMEM((CHUNKS_L2, B_EDGE), jnp.int32),
        pltpu.VMEM((CNT_ROWS, 128), jnp.float32),
        pltpu.VMEM((1, CNT_ROWS), jnp.int32),
        pltpu.VMEM_SHARED((CNT_ROWS, 128), jnp.float32),
    ],
)


def _stream_stage(table, src_hbm, dst_hbm, r, acc, src_v, dst_v, rows_a, rows_b, s0, s1):
    r = pl.multiple_of(r, 8)
    pltpu.sync_copy(src_hbm.at[pl.ds(r, STAGE)], src_v)
    pltpu.sync_copy(dst_hbm.at[pl.ds(r, STAGE)], dst_v)
    pltpu.async_copy(table.at[src_v.at[0]], rows_a, s0)

    def pair(jj, carry):
        j0 = jj * 2
        j1 = j0 + 1
        pltpu.async_copy(table.at[src_v.at[j1]], rows_b, s1)
        pltpu.make_async_copy(table.at[src_v.at[j0]], rows_a, s0).wait()
        pltpu.sync_copy(rows_a, acc.at[dst_v.at[j0]], add=True)

        @pl.when(jj < (STAGE // 2) - 1)
        def _():
            pltpu.async_copy(table.at[src_v.at[j0 + 2]], rows_a, s0)

        pltpu.make_async_copy(table.at[src_v.at[j1]], rows_b, s1).wait()
        pltpu.sync_copy(rows_b, acc.at[dst_v.at[j1]], add=True)
        return carry
    lax.fori_loop(0, STAGE // 2, pair, 0)


def _l1_body(xa, xb, src_hbm, dst_hbm, z128,
             agg_a, agg_b,
             src_v, dst_v, rows_a, rows_b, acc, s0, s1):
    cid = lax.axis_index("c")
    sid = lax.axis_index("s")
    r0 = sid * CHUNKS_L1
    sl = pl.ds(sid * ROWS_PER_TILE, ROWS_PER_TILE)
    pltpu.sync_copy(z128, acc.at[sl])

    plsc.subcore_barrier()

    def _run(table):
        def stage_body(s, carry):
            _stream_stage(table, src_hbm, dst_hbm, r0 + s * STAGE,
                          acc, src_v, dst_v, rows_a, rows_b, s0, s1)
            return carry
        lax.fori_loop(0, CHUNKS_L1 // STAGE, stage_body, 0)

    @pl.when(cid == 0)
    def _():
        _run(xa)

    @pl.when(cid == 1)
    def _():
        _run(xb)

    plsc.subcore_barrier()

    @pl.when(cid == 0)
    def _():
        pltpu.sync_copy(acc.at[sl], agg_a.at[sl])

    @pl.when(cid == 1)
    def _():
        pltpu.sync_copy(acc.at[sl], agg_b.at[sl])


_l1_aggregate = pl.kernel(
    _l1_body,
    out_type=[
        jax.ShapeDtypeStruct((N_PAD, FH), jnp.float32),
        jax.ShapeDtypeStruct((N_PAD, FH), jnp.float32),
    ],
    mesh=_MESH,
    scratch_types=[
        pltpu.VMEM((STAGE, B_EDGE), jnp.int32),
        pltpu.VMEM((STAGE, B_EDGE), jnp.int32),
        pltpu.VMEM((B_EDGE, FH), jnp.float32),
        pltpu.VMEM((B_EDGE, FH), jnp.float32),
        pltpu.VMEM_SHARED((N_PAD, FH), jnp.float32),
        pltpu.SemaphoreType.DMA,
        pltpu.SemaphoreType.DMA,
    ],
)


def _l2_body(p_hbm, src_hbm, dst_hbm, z128,
             agg2_a, agg2_b,
             src_v, dst_v, rows_a, rows_b, acc, s0, s1):
    cid = lax.axis_index("c")
    sid = lax.axis_index("s")
    wid = sid * N_CORES + cid
    r0 = wid * CHUNKS_L2
    sl = pl.ds(sid * ROWS_PER_TILE, ROWS_PER_TILE)
    pltpu.sync_copy(z128, acc.at[sl])
    plsc.subcore_barrier()

    def stage_body(s, carry):
        _stream_stage(p_hbm, src_hbm, dst_hbm, r0 + s * STAGE,
                      acc, src_v, dst_v, rows_a, rows_b, s0, s1)
        return carry
    lax.fori_loop(0, CHUNKS_L2 // STAGE, stage_body, 0)

    plsc.subcore_barrier()

    @pl.when(cid == 0)
    def _():
        pltpu.sync_copy(acc.at[sl], agg2_a.at[sl])

    @pl.when(cid == 1)
    def _():
        pltpu.sync_copy(acc.at[sl], agg2_b.at[sl])


_l2_aggregate = pl.kernel(
    _l2_body,
    out_type=[
        jax.ShapeDtypeStruct((N_PAD, CP), jnp.float32),
        jax.ShapeDtypeStruct((N_PAD, CP), jnp.float32),
    ],
    mesh=_MESH,
    scratch_types=[
        pltpu.VMEM((STAGE, B_EDGE), jnp.int32),
        pltpu.VMEM((STAGE, B_EDGE), jnp.int32),
        pltpu.VMEM((B_EDGE, CP), jnp.float32),
        pltpu.VMEM((B_EDGE, CP), jnp.float32),
        pltpu.VMEM_SHARED((N_PAD, CP), jnp.float32),
        pltpu.SemaphoreType.DMA,
        pltpu.SemaphoreType.DMA,
    ],
)

ROW_BLK = 1264
OUT_BLK = 2000


def _mlp_body(x_ref, agg_a_ref, agg_b_ref, ca_ref, cb_ref,
              w1l_ref, b1_ref, w1r_ref, w2_ref, b2_ref,
              p_ref):
    inv = 1.0 / jnp.maximum(ca_ref[...] + cb_ref[...], 1.0)
    ha = agg_a_ref[...] * inv
    hb = agg_b_ref[...] * inv
    w1l = w1l_ref[...]
    s = jnp.dot(ha, w1l[0:FH, :], preferred_element_type=jnp.float32)
    s = s + jnp.dot(hb, w1l[FH:F_IN, :], preferred_element_type=jnp.float32)
    s = s + jnp.dot(x_ref[...], w1r_ref[...], preferred_element_type=jnp.float32)
    h = jnp.maximum(s + b1_ref[...], 0.0)
    p_ref[...] = jnp.dot(h, w2_ref[...], preferred_element_type=jnp.float32) + b2_ref[...]


def _out_body(a2a_ref, a2b_ref, ca_ref, cb_ref, p_ref, o_ref):
    inv = 1.0 / jnp.maximum(ca_ref[...] + cb_ref[...], 1.0)
    s = (a2a_ref[...] + a2b_ref[...]) * inv
    t = s[:, 0:C] + p_ref[:, C:2 * C]
    m = jnp.max(t, axis=1, keepdims=True)
    lse = jnp.log(jnp.sum(jnp.exp(t - m), axis=1, keepdims=True)) + m
    o_ref[...] = t - lse


def kernel(x, edge_index, W1_l, b1_l, W1_r, W2_l, b2_l, W2_r):
    src = edge_index[0]
    dst = edge_index[1]
    pad = E_PAD - E
    ar = jnp.arange(pad, dtype=jnp.int32)
    src2 = jnp.concatenate([src, ar % N]).reshape(N_ROWS_IDX, B_EDGE)
    dst2 = jnp.concatenate([dst, N + (ar % (N_PAD - N))]).reshape(N_ROWS_IDX, B_EDGE)
    xa = x[:, :FH]
    xb = x[:, FH:]
    z128 = jnp.zeros((ROWS_PER_TILE, FH), jnp.float32)
    zc = jnp.zeros((CNT_ROWS, 128), jnp.float32)

    cnt_a2, cnt_b2 = _cnt_aggregate(dst2, zc)
    ca = cnt_a2.reshape(CNT_ROWS * 128, 1)[:N_PAD]
    cb = cnt_b2.reshape(CNT_ROWS * 128, 1)[:N_PAD]
    agg_a, agg_b = _l1_aggregate(xa, xb, src2, dst2, z128)

    w2_pad = jnp.concatenate(
        [W2_l, W2_r, jnp.zeros((H, CP - 2 * C), jnp.float32)], axis=1)
    b1r = b1_l.reshape(1, H)
    b2r = jnp.concatenate(
        [jnp.zeros((C,), jnp.float32), b2_l,
         jnp.zeros((CP - 2 * C,), jnp.float32)]).reshape(1, CP)

    p = pl.pallas_call(
        _mlp_body,
        grid=(N_PAD // ROW_BLK,),
        in_specs=[
            pl.BlockSpec((ROW_BLK, F_IN), lambda i: (i, 0)),
            pl.BlockSpec((ROW_BLK, FH), lambda i: (i, 0)),
            pl.BlockSpec((ROW_BLK, FH), lambda i: (i, 0)),
            pl.BlockSpec((ROW_BLK, 1), lambda i: (i, 0)),
            pl.BlockSpec((ROW_BLK, 1), lambda i: (i, 0)),
            pl.BlockSpec((F_IN, H), lambda i: (0, 0)),
            pl.BlockSpec((1, H), lambda i: (0, 0)),
            pl.BlockSpec((F_IN, H), lambda i: (0, 0)),
            pl.BlockSpec((H, CP), lambda i: (0, 0)),
            pl.BlockSpec((1, CP), lambda i: (0, 0)),
        ],
        out_specs=pl.BlockSpec((ROW_BLK, CP), lambda i: (i, 0)),
        out_shape=jax.ShapeDtypeStruct((N_PAD, CP), jnp.float32),
    )(x, agg_a, agg_b, ca, cb, W1_l, b1r, W1_r, w2_pad, b2r)

    agg2_a, agg2_b = _l2_aggregate(p, src2, dst2, z128)

    out = pl.pallas_call(
        _out_body,
        grid=(N // OUT_BLK,),
        in_specs=[
            pl.BlockSpec((OUT_BLK, CP), lambda i: (i, 0)),
            pl.BlockSpec((OUT_BLK, CP), lambda i: (i, 0)),
            pl.BlockSpec((OUT_BLK, 1), lambda i: (i, 0)),
            pl.BlockSpec((OUT_BLK, 1), lambda i: (i, 0)),
            pl.BlockSpec((OUT_BLK, CP), lambda i: (i, 0)),
        ],
        out_specs=pl.BlockSpec((OUT_BLK, C), lambda i: (i, 0)),
        out_shape=jax.ShapeDtypeStruct((N, C), jnp.float32),
    )(agg2_a, agg2_b, ca, cb, p)
    return out

# --- scband reference (transcript-rebuilt; emitter-appended) ---
"""Pipeline reference for scband-sage-24661702214225 (READ-ONLY COPY).

The authoritative reference and input builder live on the scoring server;
editing this copy changes nothing except your own understanding.
"""

import jax, jax.numpy as jnp
import numpy as np

N = 10000
E = 160000
F_IN = 256
H = 256
C = 40


def setup_inputs(seed: int = 0) -> dict:
    key = jax.random.key(seed)
    ks = jax.random.split(key, 10)
    x = jax.random.normal(ks[0], (N, F_IN), dtype=jnp.float32)
    edge_index = jax.random.randint(ks[1], (2, E), 0, N, dtype=jnp.int32)
    # SAGEConv params: lin_l (applied to aggregated neighbors, with bias) and lin_r (applied to self, no bias)
    W1_l = jax.random.normal(ks[2], (F_IN, H), dtype=jnp.float32) * (1.0 / np.sqrt(F_IN))
    b1_l = jnp.zeros((H,), dtype=jnp.float32)
    W1_r = jax.random.normal(ks[3], (F_IN, H), dtype=jnp.float32) * (1.0 / np.sqrt(F_IN))
    W2_l = jax.random.normal(ks[4], (H, C), dtype=jnp.float32) * (1.0 / np.sqrt(H))
    b2_l = jnp.zeros((C,), dtype=jnp.float32)
    W2_r = jax.random.normal(ks[5], (H, C), dtype=jnp.float32) * (1.0 / np.sqrt(H))
    return {"x": x, "edge_index": edge_index, "W1_l": W1_l, "b1_l": b1_l, "W1_r": W1_r,
            "W2_l": W2_l, "b2_l": b2_l, "W2_r": W2_r}


def _sage_conv(h, edge_index, W_l, b_l, W_r):
    # PyG SAGEConv with mean aggregation:
    #   out = lin_l(mean_{j in N(i)} h_j) + lin_r(h_i)
    src = edge_index[0]
    dst = edge_index[1]
    msg = jnp.take(h, src, axis=0)                                  # gather
    agg = jax.ops.segment_sum(msg, dst, num_segments=N)             # scatter-add
    cnt = jax.ops.segment_sum(jnp.ones((msg.shape[0],), h.dtype), dst, num_segments=N)
    agg = agg / jnp.maximum(cnt, 1.0)[:, None]                      # mean
    return agg @ W_l + b_l + h @ W_r


def reference(x, edge_index, W1_l, b1_l, W1_r, W2_l, b2_l, W2_r):
    h = _sage_conv(x, edge_index, W1_l, b1_l, W1_r)
    h = jax.nn.relu(h)
    # F.dropout with training=False (eval) is identity
    out = _sage_conv(h, edge_index, W2_l, b2_l, W2_r)
    return jax.nn.log_softmax(out, axis=1)

if __name__ == "__main__":
    import jax
    _d = setup_inputs()
    print(jax.jit(kernel)(*tuple(_d.values())))

</pallas_src>

<mosaic_0001>
#map = affine_map<(d0, d1) -> (0, 0)>
module attributes {stable_mosaic.version = 14 : i64} {
  func.func @_cnt_body(%arg0: i32, %arg1: i32, %arg2: memref<1280x128xi32, #tpu.memory_space<hbm>>, %arg3: memref<80x128xf32, #tpu.memory_space<hbm>>, %arg4: memref<80x128xf32, #tpu.memory_space<hbm>>, %arg5: memref<80x128xf32, #tpu.memory_space<hbm>>, %arg6: memref<40x128xi32, #tpu.memory_space<vmem>>, %arg7: memref<80x128xf32, #tpu.memory_space<vmem>>, %arg8: memref<1x80xi32, #tpu.memory_space<vmem>>, %arg9: memref<80x128xf32, #tpu.memory_space<vmem_shared>>) attributes {dimension_semantics = [#tpu.dimension_semantics<core_parallel>, #tpu.dimension_semantics<subcore_parallel>], iteration_bounds = array<i64: 2, 16>, scalar_prefetch = 0 : i64, scratch_operands = 4 : i64, tpu.core_type = #tpu.core_type<sc_vector_subcore>, window_params = [{transform_indices = #map}, {transform_indices = #map}, {transform_indices = #map}, {transform_indices = #map}]} {
    %mul3A = arith.constant 2 : i32
    %mul3A_0 = arith.muli %arg1, %mul3A : i32
    %add3A = arith.addi %mul3A_0, %arg0 : i32
    %mul3A_1 = arith.constant 40 : i32
    %mul3A_2 = arith.muli %add3A, %mul3A_1 : i32
    "tpu.region"() ({
      %run_scoped3A_65 = tpu.sem_alloc : memref<!tpu.dma_semaphore, #tpu.memory_space<semaphore_mem>>
      %dma_start3A = arith.constant 0 : i32
      %dma_start3A_66 = tpu.memref_slice %arg2[%mul3A_2, %dma_start3A] : memref<1280x128xi32, #tpu.memory_space<hbm>> -> memref<40x128xi32, #tpu.memory_space<hbm>>
      %dma_start3A_67 = arith.constant 0 : i32
      %dma_start3A_68 = tpu.memref_slice %arg2[%mul3A_2, %dma_start3A_67] : memref<1280x128xi32, #tpu.memory_space<hbm>> -> memref<40x128xi32, #tpu.memory_space<hbm>>
      tpu.enqueue_dma source(%dma_start3A_68 : memref<40x128xi32, #tpu.memory_space<hbm>>) target(%arg6 : memref<40x128xi32, #tpu.memory_space<vmem>>) target_semaphore(%run_scoped3A_65 : memref<!tpu.dma_semaphore, #tpu.memory_space<semaphore_mem>>)
      %dma_wait3A = arith.constant 0 : i32
      %dma_wait3A_69 = tpu.memref_slice %arg2[%mul3A_2, %dma_wait3A] : memref<1280x128xi32, #tpu.memory_space<hbm>> -> memref<40x128xi32, #tpu.memory_space<hbm>>
      %dma_wait3A_70 = arith.constant 0 : i32
      %dma_wait3A_71 = tpu.memref_slice %arg2[%mul3A_2, %dma_wait3A_70] : memref<1280x128xi32, #tpu.memory_space<hbm>> -> memref<40x128xi32, #tpu.memory_space<hbm>>
      tpu.wait_dma2 semaphore(%run_scoped3A_65 : memref<!tpu.dma_semaphore, #tpu.memory_space<semaphore_mem>>) src(%dma_wait3A_71 : memref<40x128xi32, #tpu.memory_space<hbm>>) dst(%arg6 : memref<40x128xi32, #tpu.memory_space<vmem>>)
      tpu.yield
    }) : () -> ()
    "tpu.region"() ({
      %run_scoped3A_65 = tpu.sem_alloc : memref<!tpu.dma_semaphore, #tpu.memory_space<semaphore_mem>>
      tpu.enqueue_dma source(%arg3 : memref<80x128xf32, #tpu.memory_space<hbm>>) target(%arg7 : memref<80x128xf32, #tpu.memory_space<vmem>>) target_semaphore(%run_scoped3A_65 : memref<!tpu.dma_semaphore, #tpu.memory_space<semaphore_mem>>)
      tpu.wait_dma2 semaphore(%run_scoped3A_65 : memref<!tpu.dma_semaphore, #tpu.memory_space<semaphore_mem>>) src(%arg3 : memref<80x128xf32, #tpu.memory_space<hbm>>) dst(%arg7 : memref<80x128xf32, #tpu.memory_space<vmem>>)
      tpu.yield
    }) : () -> ()
    %iota3A = tpu.iota {dimensions = array<i32: 0>} : vector<16xi32>
    %add3A_3 = arith.constant 0 : i32
    %add3A_4 = vector.broadcast %add3A_3 : i32 to vector<16xi32>
    %add3A_5 = arith.addi %iota3A, %add3A_4 : vector<16xi32>
    %swap3A = arith.constant 0 : i32
    %swap3A_6 = arith.index_cast %swap3A : i32 to index
    %swap3A_7 = arith.constant 0 : index
    %swap3A_8 = tpu.vector_load %arg8[%swap3A_6, %swap3A_7] {strides = array<i32>} : memref<1x80xi32, #tpu.memory_space<vmem>>, vector<16xi32>,
    tpu.vector_store %arg8[%swap3A_6, %swap3A_7], %add3A_5 {strides = array<i32>} : memref<1x80xi32, #tpu.memory_space<vmem>>, vector<16xi32>,
    %iota3A_9 = tpu.iota {dimensions = array<i32: 0>} : vector<16xi32>
    %add3A_10 = arith.constant 16 : i32
    %add3A_11 = vector.broadcast %add3A_10 : i32 to vector<16xi32>
    %add3A_12 = arith.addi %iota3A_9, %add3A_11 : vector<16xi32>
    %swap3A_13 = arith.constant 0 : i32
    %swap3A_14 = arith.index_cast %swap3A_13 : i32 to index
    %swap3A_15 = arith.constant 16 : index
    %swap3A_16 = tpu.vector_load %arg8[%swap3A_14, %swap3A_15] {strides = array<i32>} : memref<1x80xi32, #tpu.memory_space<vmem>>, vector<16xi32>,
    tpu.vector_store %arg8[%swap3A_14, %swap3A_15], %add3A_12 {strides = array<i32>} : memref<1x80xi32, #tpu.memory_space<vmem>>, vector<16xi32>,
    %iota3A_17 = tpu.iota {dimensions = array<i32: 0>} : vector<16xi32>
    %add3A_18 = arith.constant 32 : i32
    %add3A_19 = vector.broadcast %add3A_18 : i32 to vector<16xi32>
    %add3A_20 = arith.addi %iota3A_17, %add3A_19 : vector<16xi32>
    %swap3A_21 = arith.constant 0 : i32
    %swap3A_22 = arith.index_cast %swap3A_21 : i32 to index
    %swap3A_23 = arith.constant 32 : index
    %swap3A_24 = tpu.vector_load %arg8[%swap3A_22, %swap3A_23] {strides = array<i32>} : memref<1x80xi32, #tpu.memory_space<vmem>>, vector<16xi32>,
    tpu.vector_store %arg8[%swap3A_22, %swap3A_23], %add3A_20 {strides = array<i32>} : memref<1x80xi32, #tpu.memory_space<vmem>>, vector<16xi32>,
    %iota3A_25 = tpu.iota {dimensions = array<i32: 0>} : vector<16xi32>
    %add3A_26 = arith.constant 48 : i32
    %add3A_27 = vector.broadcast %add3A_26 : i32 to vector<16xi32>
    %add3A_28 = arith.addi %iota3A_25, %add3A_27 : vector<16xi32>
    %swap3A_29 = arith.constant 0 : i32
    %swap3A_30 = arith.index_cast %swap3A_29 : i32 to index
    %swap3A_31 = arith.constant 48 : index
    %swap3A_32 = tpu.vector_load %arg8[%swap3A_30, %swap3A_31] {strides = array<i32>} : memref<1x80xi32, #tpu.memory_space<vmem>>, vector<16xi32>,
    tpu.vector_store %arg8[%swap3A_30, %swap3A_31], %add3A_28 {strides = array<i32>} : memref<1x80xi32, #tpu.memory_space<vmem>>, vector<16xi32>,
    %iota3A_33 = tpu.iota {dimensions = array<i32: 0>} : vector<16xi32>
    %add3A_34 = arith.constant 64 : i32
    %add3A_35 = vector.broadcast %add3A_34 : i32 to vector<16xi32>
    %add3A_36 = arith.addi %iota3A_33, %add3A_35 : vector<16xi32>
    %swap3A_37 = arith.constant 0 : i32
    %swap3A_38 = arith.index_cast %swap3A_37 : i32 to index
    %swap3A_39 = arith.constant 64 : index
    %swap3A_40 = tpu.vector_load %arg8[%swap3A_38, %swap3A_39] {strides = array<i32>} : memref<1x80xi32, #tpu.memory_space<vmem>>, vector<16xi32>,
    tpu.vector_store %arg8[%swap3A_38, %swap3A_39], %add3A_36 {strides = array<i32>} : memref<1x80xi32, #tpu.memory_space<vmem>>, vector<16xi32>,
    %eq3A = arith.constant 0 : i32
    %eq3A_41 = arith.cmpi eq, %arg1, %eq3A : i32
    %convert_element_type3A = arith.extui %eq3A_41 : i1 to i32
    %cond3A = arith.constant 0 : i32
    %cond3A_42 = arith.cmpi ne, %convert_element_type3A, %cond3A : i32
    scf.if %cond3A_42 {
      "tpu.region"() ({
        %run_scoped3A_65 = tpu.sem_alloc : memref<!tpu.dma_semaphore, #tpu.memory_space<semaphore_mem>>
        tpu.enqueue_dma source(%arg3 : memref<80x128xf32, #tpu.memory_space<hbm>>) target(%arg9 : memref<80x128xf32, #tpu.memory_space<vmem_shared>>) target_semaphore(%run_scoped3A_65 : memref<!tpu.dma_semaphore, #tpu.memory_space<semaphore_mem>>)
        tpu.wait_dma2 semaphore(%run_scoped3A_65 : memref<!tpu.dma_semaphore, #tpu.memory_space<semaphore_mem>>) src(%arg3 : memref<80x128xf32, #tpu.memory_space<hbm>>) dst(%arg9 : memref<80x128xf32, #tpu.memory_space<vmem_shared>>)
        tpu.yield
      }) : () -> ()
    } else {
    }
    %barrier3A = arith.constant 0 : index
    tpu.barrier barrier_id(%barrier3A)
    %broadcast_in_dim3A = arith.constant 1.000000e+00 : f32
    %broadcast_in_dim3A_43 = vector.broadcast %broadcast_in_dim3A : f32 to vector<16xf32>
    %scan3A = arith.constant 0 : i32
    %scan3A_44 = arith.constant 0 : i32
    %scan3A_45 = arith.constant 40 : i32
    %scan3A_46 = arith.addi %scan3A_44, %scan3A_45 : i32
    %scan3A_47 = arith.constant 1 : i32
    scf.for %scan3A_65 = %scan3A_44 to %scan3A_46 step %scan3A_47  : i32 {
      %get3A = arith.index_cast %scan3A_65 : i32 to index
      %get3A_66 = arith.constant 0 : index
      %get3A_67 = tpu.vector_load %arg6[%get3A, %get3A_66] {strides = array<i32>} : memref<40x128xi32, #tpu.memory_space<vmem>>, vector<16xi32>,
      %shift_right_logical3A = arith.constant 7 : i32
      %shift_right_logical3A_68 = vector.broadcast %shift_right_logical3A : i32 to vector<16xi32>
      %shift_right_logical3A_69 = arith.shrui %get3A_67, %shift_right_logical3A_68 : vector<16xi32>
      %and3A_70 = arith.constant 127 : i32
      %and3A_71 = vector.broadcast %and3A_70 : i32 to vector<16xi32>
      %and3A_72 = arith.andi %get3A_67, %and3A_71 : vector<16xi32>
      tpu.vector_store_idx %arg7[%shift_right_logical3A_69, %and3A_72], %broadcast_in_dim3A_43 {add = true} : memref<80x128xf32, #tpu.memory_space<vmem>>[vector<16xi32>, vector<16xi32>], vector<16xf32>,
      %get3A_73 = arith.index_cast %scan3A_65 : i32 to index
      %get3A_74 = arith.constant 16 : index
      %get3A_75 = tpu.vector_load %arg6[%get3A_73, %get3A_74] {strides = array<i32>} : memref<40x128xi32, #tpu.memory_space<vmem>>, vector<16xi32>,
      %shift_right_logical3A_76 = arith.constant 7 : i32
      %shift_right_logical3A_77 = vector.broadcast %shift_right_logical3A_76 : i32 to vector<16xi32>
      %shift_right_logical3A_78 = arith.shrui %get3A_75, %shift_right_logical3A_77 : vector<16xi32>
      %and3A_79 = arith.constant 127 : i32
      %and3A_80 = vector.broadcast %and3A_79 : i32 to vector<16xi32>
      %and3A_81 = arith.andi %get3A_75, %and3A_80 : vector<16xi32>
      tpu.vector_store_idx %arg7[%shift_right_logical3A_78, %and3A_81], %broadcast_in_dim3A_43 {add = true} : memref<80x128xf32, #tpu.memory_space<vmem>>[vector<16xi32>, vector<16xi32>], vector<16xf32>,
      %get3A_82 = arith.index_cast %scan3A_65 : i32 to index
      %get3A_83 = arith.constant 32 : index
      %get3A_84 = tpu.vector_load %arg6[%get3A_82, %get3A_83] {strides = array<i32>} : memref<40x128xi32, #tpu.memory_space<vmem>>, vector<16xi32>,
      %shift_right_logical3A_85 = arith.constant 7 : i32
      %shift_right_logical3A_86 = vector.broadcast %shift_right_logical3A_85 : i32 to vector<16xi32>
      %shift_right_logical3A_87 = arith.shrui %get3A_84, %shift_right_logical3A_86 : vector<16xi32>
      %and3A_88 = arith.constant 127 : i32
      %and3A_89 = vector.broadcast %and3A_88 : i32 to vector<16xi32>
      %and3A_90 = arith.andi %get3A_84, %and3A_89 : vector<16xi32>
      tpu.vector_store_idx %arg7[%shift_right_logical3A_87, %and3A_90], %broadcast_in_dim3A_43 {add = true} : memref<80x128xf32, #tpu.memory_space<vmem>>[vector<16xi32>, vector<16xi32>], vector<16xf32>,
      %get3A_91 = arith.index_cast %scan3A_65 : i32 to index
      %get3A_92 = arith.constant 48 : index
      %get3A_93 = tpu.vector_load %arg6[%get3A_91, %get3A_92] {strides = array<i32>} : memref<40x128xi32, #tpu.memory_space<vmem>>, vector<16xi32>,
      %shift_right_logical3A_94 = arith.constant 7 : i32
      %shift_right_logical3A_95 = vector.broadcast %shift_right_logical3A_94 : i32 to vector<16xi32>
      %shift_right_logical3A_96 = arith.shrui %get3A_93, %shift_right_logical3A_95 : vector<16xi32>
      %and3A_97 = arith.constant 127 : i32
      %and3A_98 = vector.broadcast %and3A_97 : i32 to vector<16xi32>
      %and3A_99 = arith.andi %get3A_93, %and3A_98 : vector<16xi32>
      tpu.vector_store_idx %arg7[%shift_right_logical3A_96, %and3A_99], %broadcast_in_dim3A_43 {add = true} : memref<80x128xf32, #tpu.memory_space<vmem>>[vector<16xi32>, vector<16xi32>], vector<16xf32>,
      %get3A_100 = arith.index_cast %scan3A_65 : i32 to index
      %get3A_101 = arith.constant 64 : index
      %get3A_102 = tpu.vector_load %arg6[%get3A_100, %get3A_101] {strides = array<i32>} : memref<40x128xi32, #tpu.memory_space<vmem>>, vector<16xi32>,
      %shift_right_logical3A_103 = arith.constant 7 : i32
      %shift_right_logical3A_104 = vector.broadcast %shift_right_logical3A_103 : i32 to vector<16xi32>
      %shift_right_logical3A_105 = arith.shrui %get3A_102, %shift_right_logical3A_104 : vector<16xi32>
      %and3A_106 = arith.constant 127 : i32
      %and3A_107 = vector.broadcast %and3A_106 : i32 to vector<16xi32>
      %and3A_108 = arith.andi %get3A_102, %and3A_107 : vector<16xi32>
      tpu.vector_store_idx %arg7[%shift_right_logical3A_105, %and3A_108], %broadcast_in_dim3A_43 {add = true} : memref<80x128xf32, #tpu.memory_space<vmem>>[vector<16xi32>, vector<16xi32>], vector<16xf32>,
      %get3A_109 = arith.index_cast %scan3A_65 : i32 to index
      %get3A_110 = arith.constant 80 : index
      %get3A_111 = tpu.vector_load %arg6[%get3A_109, %get3A_110] {strides = array<i32>} : memref<40x128xi32, #tpu.memory_space<vmem>>, vector<16xi32>,
      %shift_right_logical3A_112 = arith.constant 7 : i32
      %shift_right_logical3A_113 = vector.broadcast %shift_right_logical3A_112 : i32 to vector<16xi32>
      %shift_right_logical3A_114 = arith.shrui %get3A_111, %shift_right_logical3A_113 : vector<16xi32>
      %and3A_115 = arith.constant 127 : i32
      %and3A_116 = vector.broadcast %and3A_115 : i32 to vector<16xi32>
      %and3A_117 = arith.andi %get3A_111, %and3A_116 : vector<16xi32>
      tpu.vector_store_idx %arg7[%shift_right_logical3A_114, %and3A_117], %broadcast_in_dim3A_43 {add = true} : memref<80x128xf32, #tpu.memory_space<vmem>>[vector<16xi32>, vector<16xi32>], vector<16xf32>,
      %get3A_118 = arith.index_cast %scan3A_65 : i32 to index
      %get3A_119 = arith.constant 96 : index
      %get3A_120 = tpu.vector_load %arg6[%get3A_118, %get3A_119] {strides = array<i32>} : memref<40x128xi32, #tpu.memory_space<vmem>>, vector<16xi32>,
      %shift_right_logical3A_121 = arith.constant 7 : i32
      %shift_right_logical3A_122 = vector.broadcast %shift_right_logical3A_121 : i32 to vector<16xi32>
      %shift_right_logical3A_123 = arith.shrui %get3A_120, %shift_right_logical3A_122 : vector<16xi32>
      %and3A_124 = arith.constant 127 : i32
      %and3A_125 = vector.broadcast %and3A_124 : i32 to vector<16xi32>
      %and3A_126 = arith.andi %get3A_120, %and3A_125 : vector<16xi32>
      tpu.vector_store_idx %arg7[%shift_right_logical3A_123, %and3A_126], %broadcast_in_dim3A_43 {add = true} : memref<80x128xf32, #tpu.memory_space<vmem>>[vector<16xi32>, vector<16xi32>], vector<16xf32>,
      %get3A_127 = arith.index_cast %scan3A_65 : i32 to index
      %get3A_128 = arith.constant 112 : index
      %get3A_129 = tpu.vector_load %arg6[%get3A_127, %get3A_128] {strides = array<i32>} : memref<40x128xi32, #tpu.memory_space<vmem>>, vector<16xi32>,
      %shift_right_logical3A_130 = arith.constant 7 : i32
      %shift_right_logical3A_131 = vector.broadcast %shift_right_logical3A_130 : i32 to vector<16xi32>
      %shift_right_logical3A_132 = arith.shrui %get3A_129, %shift_right_logical3A_131 : vector<16xi32>
      %and3A_133 = arith.constant 127 : i32
      %and3A_134 = vector.broadcast %and3A_133 : i32 to vector<16xi32>
      %and3A_135 = arith.andi %get3A_129, %and3A_134 : vector<16xi32>
      tpu.vector_store_idx %arg7[%shift_right_logical3A_132, %and3A_135], %broadcast_in_dim3A_43 {add = true} : memref<80x128xf32, #tpu.memory_space<vmem>>[vector<16xi32>, vector<16xi32>], vector<16xf32>,
    }
    %scan3A_48 = arith.constant 40 : i32
    %run_scoped3A = arith.constant 0 : i32
    "tpu.region"() ({
      %run_scoped3A_65 = tpu.sem_alloc : memref<!tpu.dma_semaphore, #tpu.memory_space<semaphore_mem>>
      %dma_start3A = arith.constant 0 : i32
      %dma_start3A_66 = tpu.memref_slice %arg8[%run_scoped3A, %dma_start3A] : memref<1x80xi32, #tpu.memory_space<vmem>> -> memref<1x80xi32, #tpu.memory_space<vmem>>
      %dma_start3A_67 = tpu.memref_squeeze %dma_start3A_66 : memref<1x80xi32, #tpu.memory_space<vmem>> -> memref<80xi32, #tpu.memory_space<vmem>>
      %dma_start3A_68 = arith.constant 0 : i32
      %dma_start3A_69 = arith.constant 0 : i32
      %dma_start3A_70 = tpu.memref_slice %arg9[%dma_start3A_68, %dma_start3A_69] : memref<80x128xf32, #tpu.memory_space<vmem_shared>> -> memref<80x128xf32, #tpu.memory_space<vmem_shared>>
      tpu.enqueue_indirect_dma source(%arg7 : memref<80x128xf32, #tpu.memory_space<vmem>>) target(%dma_start3A_70 : memref<80x128xf32, #tpu.memory_space<vmem_shared>>) offsets(%dma_start3A_67 : memref<80xi32, #tpu.memory_space<vmem>>) semaphore(%run_scoped3A_65 : memref<!tpu.dma_semaphore, #tpu.memory_space<semaphore_mem>>) {add = true}
      %dma_wait3A = arith.constant 0 : i32
      %dma_wait3A_71 = tpu.memref_slice %arg8[%run_scoped3A, %dma_wait3A] : memref<1x80xi32, #tpu.memory_space<vmem>> -> memref<1x80xi32, #tpu.memory_space<vmem>>
      %dma_wait3A_72 = tpu.memref_squeeze %dma_wait3A_71 : memref<1x80xi32, #tpu.memory_space<vmem>> -> memref<80xi32, #tpu.memory_space<vmem>>
      %dma_wait3A_73 = arith.constant 0 : i32
      %dma_wait3A_74 = arith.constant 0 : i32
      %dma_wait3A_75 = tpu.memref_slice %arg9[%dma_wait3A_73, %dma_wait3A_74] : memref<80x128xf32, #tpu.memory_space<vmem_shared>> -> memref<80x128xf32, #tpu.memory_space<vmem_shared>>
      tpu.wait_indirect_dma semaphore(%run_scoped3A_65 : memref<!tpu.dma_semaphore, #tpu.memory_space<semaphore_mem>>) src(%arg7 : memref<80x128xf32, #tpu.memory_space<vmem>>) dst(%dma_wait3A_75 : memref<80x128xf32, #tpu.memory_space<vmem_shared>>)
      tpu.yield
    }) : () -> ()
    %barrier3A_49 = arith.constant 0 : index
    tpu.barrier barrier_id(%barrier3A_49)
    %eq3A_50 = arith.constant 0 : i32
    %eq3A_51 = arith.cmpi eq, %arg0, %eq3A_50 : i32
    %eq3A_52 = arith.constant 0 : i32
    %eq3A_53 = arith.cmpi eq, %arg1, %eq3A_52 : i32
    %and3A = arith.andi %eq3A_51, %eq3A_53 : i1
    %convert_element_type3A_54 = arith.extui %and3A : i1 to i32
    %cond3A_55 = arith.constant 0 : i32
    %cond3A_56 = arith.cmpi ne, %convert_element_type3A_54, %cond3A_55 : i32
    scf.if %cond3A_56 {
      "tpu.region"() ({
        %run_scoped3A_65 = tpu.sem_alloc : memref<!tpu.dma_semaphore, #tpu.memory_space<semaphore_mem>>
        tpu.enqueue_dma source(%arg9 : memref<80x128xf32, #tpu.memory_space<vmem_shared>>) target(%arg4 : memref<80x128xf32, #tpu.memory_space<hbm>>) target_semaphore(%run_scoped3A_65 : memref<!tpu.dma_semaphore, #tpu.memory_space<semaphore_mem>>)
        tpu.wait_dma2 semaphore(%run_scoped3A_65 : memref<!tpu.dma_semaphore, #tpu.memory_space<semaphore_mem>>) src(%arg9 : memref<80x128xf32, #tpu.memory_space<vmem_shared>>) dst(%arg4 : memref<80x128xf32, #tpu.memory_space<hbm>>)
        tpu.yield
      }) : () -> ()
    } else {
    }
    %eq3A_57 = arith.constant 1 : i32
    %eq3A_58 = arith.cmpi eq, %arg0, %eq3A_57 : i32
    %eq3A_59 = arith.constant 0 : i32
    %eq3A_60 = arith.cmpi eq, %arg1, %eq3A_59 : i32
    %and3A_61 = arith.andi %eq3A_58, %eq3A_60 : i1
    %convert_element_type3A_62 = arith.extui %and3A_61 : i1 to i32
    %cond3A_63 = arith.constant 0 : i32
    %cond3A_64 = arith.cmpi ne, %convert_element_type3A_62, %cond3A_63 : i32
    scf.if %cond3A_64 {
      "tpu.region"() ({
        %run_scoped3A_65 = tpu.sem_alloc : memref<!tpu.dma_semaphore, #tpu.memory_space<semaphore_mem>>
        tpu.enqueue_dma source(%arg9 : memref<80x128xf32, #tpu.memory_space<vmem_shared>>) target(%arg5 : memref<80x128xf32, #tpu.memory_space<hbm>>) target_semaphore(%run_scoped3A_65 : memref<!tpu.dma_semaphore, #tpu.memory_space<semaphore_mem>>)
        tpu.wait_dma2 semaphore(%run_scoped3A_65 : memref<!tpu.dma_semaphore, #tpu.memory_space<semaphore_mem>>) src(%arg9 : memref<80x128xf32, #tpu.memory_space<vmem_shared>>) dst(%arg5 : memref<80x128xf32, #tpu.memory_space<hbm>>)
        tpu.yield
      }) : () -> ()
    } else {
    }
    return
  }
}

#map = affine_map<(d0, d1) -> (0, 0)>
module attributes {stable_mosaic.version = 14 : i64} {
  func.func @_l1_body(%arg0: i32, %arg1: i32, %arg2: memref<10000x128xf32, #tpu.memory_space<hbm>>, %arg3: memref<10000x128xf32, #tpu.memory_space<hbm>>, %arg4: memref<1280x128xi32, #tpu.memory_space<hbm>>, %arg5: memref<1280x128xi32, #tpu.memory_space<hbm>>, %arg6: memref<632x128xf32, #tpu.memory_space<hbm>>, %arg7: memref<10112x128xf32, #tpu.memory_space<hbm>>, %arg8: memref<10112x128xf32, #tpu.memory_space<hbm>>, %arg9: memref<40x128xi32, #tpu.memory_space<vmem>>, %arg10: memref<40x128xi32, #tpu.memory_space<vmem>>, %arg11: memref<128x128xf32, #tpu.memory_space<vmem>>, %arg12: memref<128x128xf32, #tpu.memory_space<vmem>>, %arg13: memref<10112x128xf32, #tpu.memory_space<vmem_shared>>, %arg14: memref<!tpu.dma_semaphore, #tpu.memory_space<semaphore_mem>>, %arg15: memref<!tpu.dma_semaphore, #tpu.memory_space<semaphore_mem>>) attributes {dimension_semantics = [#tpu.dimension_semantics<core_parallel>, #tpu.dimension_semantics<subcore_parallel>], iteration_bounds = array<i64: 2, 16>, scalar_prefetch = 0 : i64, scratch_operands = 7 : i64, tpu.core_type = #tpu.core_type<sc_vector_subcore>, window_params = [{transform_indices = #map}, {transform_indices = #map}, {transform_indices = #map}, {transform_indices = #map}, {transform_indices = #map}, {transform_indices = #map}, {transform_indices = #map}]} {
    %mul3A = arith.constant 80 : i32
    %mul3A_0 = arith.muli %arg1, %mul3A : i32
    %mul3A_1 = arith.constant 632 : i32
    %mul3A_2 = arith.muli %arg1, %mul3A_1 : i32
    "tpu.region"() ({
      %run_scoped3A = tpu.sem_alloc : memref<!tpu.dma_semaphore, #tpu.memory_space<semaphore_mem>>
      %dma_start3A = arith.constant 0 : i32
      %dma_start3A_21 = tpu.memref_slice %arg13[%mul3A_2, %dma_start3A] : memref<10112x128xf32, #tpu.memory_space<vmem_shared>> -> memref<632x128xf32, #tpu.memory_space<vmem_shared>>
      tpu.enqueue_dma source(%arg6 : memref<632x128xf32, #tpu.memory_space<hbm>>) target(%dma_start3A_21 : memref<632x128xf32, #tpu.memory_space<vmem_shared>>) target_semaphore(%run_scoped3A : memref<!tpu.dma_semaphore, #tpu.memory_space<semaphore_mem>>)
      %dma_wait3A = arith.constant 0 : i32
      %dma_wait3A_22 = tpu.memref_slice %arg13[%mul3A_2, %dma_wait3A] : memref<10112x128xf32, #tpu.memory_space<vmem_shared>> -> memref<632x128xf32, #tpu.memory_space<vmem_shared>>
      tpu.wait_dma2 semaphore(%run_scoped3A : memref<!tpu.dma_semaphore, #tpu.memory_space<semaphore_mem>>) src(%arg6 : memref<632x128xf32, #tpu.memory_space<hbm>>) dst(%dma_wait3A_22 : memref<632x128xf32, #tpu.memory_space<vmem_shared>>)
      tpu.yield
    }) : () -> ()
    %barrier3A = arith.constant 0 : index
    tpu.barrier barrier_id(%barrier3A)
    %eq3A = arith.constant 0 : i32
    %eq3A_3 = arith.cmpi eq, %arg0, %eq3A : i32
    %convert_element_type3A = arith.extui %eq3A_3 : i1 to i32
    %cond3A = arith.constant 0 : i32
    %cond3A_4 = arith.cmpi ne, %convert_element_type3A, %cond3A : i32
    scf.if %cond3A_4 {
      %scan3A = arith.constant 0 : i32
      %scan3A_21 = arith.constant 0 : i32
      %scan3A_22 = arith.constant 2 : i32
      %scan3A_23 = arith.addi %scan3A_21, %scan3A_22 : i32
      %scan3A_24 = arith.constant 1 : i32
      scf.for %scan3A_26 = %scan3A_21 to %scan3A_23 step %scan3A_24  : i32 {
        %mul3A_27 = arith.constant 40 : i32
        %mul3A_28 = arith.muli %scan3A_26, %mul3A_27 : i32
        %add3A = arith.addi %mul3A_0, %mul3A_28 : i32
        %multiple_of3A = tpu.assume_multiple %add3A, 8 : i32
        "tpu.region"() ({
          %run_scoped3A = tpu.sem_alloc : memref<!tpu.dma_semaphore, #tpu.memory_space<semaphore_mem>>
          %dma_start3A_41 = arith.constant 0 : i32
          %dma_start3A_42 = tpu.memref_slice %arg4[%multiple_of3A, %dma_start3A_41] : memref<1280x128xi32, #tpu.memory_space<hbm>> -> memref<40x128xi32, #tpu.memory_space<hbm>>
          %dma_start3A_43 = arith.constant 0 : i32
          %dma_start3A_44 = tpu.memref_slice %arg4[%multiple_of3A, %dma_start3A_43] : memref<1280x128xi32, #tpu.memory_space<hbm>> -> memref<40x128xi32, #tpu.memory_space<hbm>>
          tpu.enqueue_dma source(%dma_start3A_44 : memref<40x128xi32, #tpu.memory_space<hbm>>) target(%arg9 : memref<40x128xi32, #tpu.memory_space<vmem>>) target_semaphore(%run_scoped3A : memref<!tpu.dma_semaphore, #tpu.memory_space<semaphore_mem>>)
          %dma_wait3A = arith.constant 0 : i32
          %dma_wait3A_45 = tpu.memref_slice %arg4[%multiple_of3A, %dma_wait3A] : memref<1280x128xi32, #tpu.memory_space<hbm>> -> memref<40x128xi32, #tpu.memory_space<hbm>>
          %dma_wait3A_46 = arith.constant 0 : i32
          %dma_wait3A_47 = tpu.memref_slice %arg4[%multiple_of3A, %dma_wait3A_46] : memref<1280x128xi32, #tpu.memory_space<hbm>> -> memref<40x128xi32, #tpu.memory_space<hbm>>
          tpu.wait_dma2 semaphore(%run_scoped3A : memref<!tpu.dma_semaphore, #tpu.memory_space<semaphore_mem>>) src(%dma_wait3A_47 : memref<40x128xi32, #tpu.memory_space<hbm>>) dst(%arg9 : memref<40x128xi32, #tpu.memory_space<vmem>>)
          tpu.yield
        }) : () -> ()
        "tpu.region"() ({
          %run_scoped3A = tpu.sem_alloc : memref<!tpu.dma_semaphore, #tpu.memory_space<semaphore_mem>>
          %dma_start3A_41 = arith.constant 0 : i32
          %dma_start3A_42 = tpu.memref_slice %arg5[%multiple_of3A, %dma_start3A_41] : memref<1280x128xi32, #tpu.memory_space<hbm>> -> memref<40x128xi32, #tpu.memory_space<hbm>>
          %dma_start3A_43 = arith.constant 0 : i32
          %dma_start3A_44 = tpu.memref_slice %arg5[%multiple_of3A, %dma_start3A_43] : memref<1280x128xi32, #tpu.memory_space<hbm>> -> memref<40x128xi32, #tpu.memory_space<hbm>>
          tpu.enqueue_dma source(%dma_start3A_44 : memref<40x128xi32, #tpu.memory_space<hbm>>) target(%arg10 : memref<40x128xi32, #tpu.memory_space<vmem>>) target_semaphore(%run_scoped3A : memref<!tpu.dma_semaphore, #tpu.memory_space<semaphore_mem>>)
          %dma_wait3A = arith.constant 0 : i32
          %dma_wait3A_45 = tpu.memref_slice %arg5[%multiple_of3A, %dma_wait3A] : memref<1280x128xi32, #tpu.memory_space<hbm>> -> memref<40x128xi32, #tpu.memory_space<hbm>>
          %dma_wait3A_46 = arith.constant 0 : i32
          %dma_wait3A_47 = tpu.memref_slice %arg5[%multiple_of3A, %dma_wait3A_46] : memref<1280x128xi32, #tpu.memory_space<hbm>> -> memref<40x128xi32, #tpu.memory_space<hbm>>
          tpu.wait_dma2 semaphore(%run_scoped3A : memref<!tpu.dma_semaphore, #tpu.memory_space<semaphore_mem>>) src(%dma_wait3A_47 : memref<40x128xi32, #tpu.memory_space<hbm>>) dst(%arg10 : memref<40x128xi32, #tpu.memory_space<vmem>>)
          tpu.yield
        }) : () -> ()
        %dma_start3A = arith.constant 0 : i32
        %dma_start3A_29 = arith.constant 0 : i32
        %dma_start3A_30 = tpu.memref_slice %arg9[%dma_start3A, %dma_start3A_29] : memref<40x128xi32, #tpu.memory_space<vmem>> -> memref<1x128xi32, #tpu.memory_space<vmem>>
        %dma_start3A_31 = tpu.memref_squeeze %dma_start3A_30 : memref<1x128xi32, #tpu.memory_space<vmem>> -> memref<128xi32, #tpu.memory_space<vmem>>
        %dma_start3A_32 = arith.constant 0 : i32
        %dma_start3A_33 = arith.constant 0 : i32
        %dma_start3A_34 = tpu.memref_slice %arg2[%dma_start3A_32, %dma_start3A_33] : memref<10000x128xf32, #tpu.memory_space<hbm>> -> memref<10000x128xf32, #tpu.memory_space<hbm>>
        tpu.enqueue_indirect_dma source(%dma_start3A_34 : memref<10000x128xf32, #tpu.memory_space<hbm>>) target(%arg11 : memref<128x128xf32, #tpu.memory_space<vmem>>) offsets(%dma_start3A_31 : memref<128xi32, #tpu.memory_space<vmem>>) semaphore(%arg14 : memref<!tpu.dma_semaphore, #tpu.memory_space<semaphore_mem>>)
        %scan3A_35 = arith.constant 0 : i32
        %scan3A_36 = arith.constant 0 : i32
        %scan3A_37 = arith.constant 20 : i32
        %scan3A_38 = arith.addi %scan3A_36, %scan3A_37 : i32
        %scan3A_39 = arith.constant 1 : i32
        scf.for %scan3A_41 = %scan3A_36 to %scan3A_38 step %scan3A_39  : i32 {
          %mul3A_42 = arith.constant 2 : i32
          %mul3A_43 = arith.muli %scan3A_41, %mul3A_42 : i32
          %add3A_44 = arith.constant 1 : i32
          %add3A_45 = arith.addi %mul3A_43, %add3A_44 : i32
          %dma_start3A_46 = arith.constant 0 : i32
          %dma_start3A_47 = tpu.memref_slice %arg9[%add3A_45, %dma_start3A_46] : memref<40x128xi32, #tpu.memory_space<vmem>> -> memref<1x128xi32, #tpu.memory_space<vmem>>
          %dma_start3A_48 = tpu.memref_squeeze %dma_start3A_47 : memref<1x128xi32, #tpu.memory_space<vmem>> -> memref<128xi32, #tpu.memory_space<vmem>>
          %dma_start3A_49 = arith.constant 0 : i32
          %dma_start3A_50 = arith.constant 0 : i32
          %dma_start3A_51 = tpu.memref_slice %arg2[%dma_start3A_49, %dma_start3A_50] : memref<10000x128xf32, #tpu.memory_space<hbm>> -> memref<10000x128xf32, #tpu.memory_space<hbm>>
          tpu.enqueue_indirect_dma source(%dma_start3A_51 : memref<10000x128xf32, #tpu.memory_space<hbm>>) target(%arg12 : memref<128x128xf32, #tpu.memory_space<vmem>>) offsets(%dma_start3A_48 : memref<128xi32, #tpu.memory_space<vmem>>) semaphore(%arg15 : memref<!tpu.dma_semaphore, #tpu.memory_space<semaphore_mem>>)
          %dma_wait3A = arith.constant 0 : i32
          %dma_wait3A_52 = tpu.memref_slice %arg9[%mul3A_43, %dma_wait3A] : memref<40x128xi32, #tpu.memory_space<vmem>> -> memref<1x128xi32, #tpu.memory_space<vmem>>
          %dma_wait3A_53 = tpu.memref_squeeze %dma_wait3A_52 : memref<1x128xi32, #tpu.memory_space<vmem>> -> memref<128xi32, #tpu.memory_space<vmem>>
          %dma_wait3A_54 = arith.constant 0 : i32
          %dma_wait3A_55 = arith.constant 0 : i32
          %dma_wait3A_56 = tpu.memref_slice %arg2[%dma_wait3A_54, %dma_wait3A_55] : memref<10000x128xf32, #tpu.memory_space<hbm>> -> memref<10000x128xf32, #tpu.memory_space<hbm>>
          tpu.wait_indirect_dma semaphore(%arg14 : memref<!tpu.dma_semaphore, #tpu.memory_space<semaphore_mem>>) src(%dma_wait3A_56 : memref<10000x128xf32, #tpu.memory_space<hbm>>) dst(%arg11 : memref<128x128xf32, #tpu.memory_space<vmem>>)
          "tpu.region"() ({
            %run_scoped3A = tpu.sem_alloc : memref<!tpu.dma_semaphore, #tpu.memory_space<semaphore_mem>>
            %dma_start3A_67 = arith.constant 0 : i32
            %dma_start3A_68 = tpu.memref_slice %arg10[%mul3A_43, %dma_start3A_67] : memref<40x128xi32, #tpu.memory_space<vmem>> -> memref<1x128xi32, #tpu.memory_space<vmem>>
            %dma_start3A_69 = tpu.memref_squeeze %dma_start3A_68 : memref<1x128xi32, #tpu.memory_space<vmem>> -> memref<128xi32, #tpu.memory_space<vmem>>
            %dma_start3A_70 = arith.constant 0 : i32
            %dma_start3A_71 = arith.constant 0 : i32
            %dma_start3A_72 = tpu.memref_slice %arg13[%dma_start3A_70, %dma_start3A_71] : memref<10112x128xf32, #tpu.memory_space<vmem_shared>> -> memref<10112x128xf32, #tpu.memory_space<vmem_shared>>
            tpu.enqueue_indirect_dma source(%arg11 : memref<128x128xf32, #tpu.memory_space<vmem>>) target(%dma_start3A_72 : memref<10112x128xf32, #tpu.memory_space<vmem_shared>>) offsets(%dma_start3A_69 : memref<128xi32, #tpu.memory_space<vmem>>) semaphore(%run_scoped3A : memref<!tpu.dma_semaphore, #tpu.memory_space<semaphore_mem>>) {add = true}
            %dma_wait3A_73 = arith.constant 0 : i32
            %dma_wait3A_74 = tpu.memref_slice %arg10[%mul3A_43, %dma_wait3A_73] : memref<40x128xi32, #tpu.memory_space<vmem>> -> memref<1x128xi32, #tpu.memory_space<vmem>>
            %dma_wait3A_75 = tpu.memref_squeeze %dma_wait3A_74 : memref<1x128xi32, #tpu.memory_space<vmem>> -> memref<128xi32, #tpu.memory_space<vmem>>
            %dma_wait3A_76 = arith.constant 0 : i32
            %dma_wait3A_77 = arith.constant 0 : i32
            %dma_wait3A_78 = tpu.memref_slice %arg13[%dma_wait3A_76, %dma_wait3A_77] : memref<10112x128xf32, #tpu.memory_space<vmem_shared>> -> memref<10112x128xf32, #tpu.memory_space<vmem_shared>>
            tpu.wait_indirect_dma semaphore(%run_scoped3A : memref<!tpu.dma_semaphore, #tpu.memory_space<semaphore_mem>>) src(%arg11 : memref<128x128xf32, #tpu.memory_space<vmem>>) dst(%dma_wait3A_78 : memref<10112x128xf32, #tpu.memory_space<vmem_shared>>)
            tpu.yield
          }) : () -> ()
          %lt3A = arith.constant 19 : i32
          %lt3A_57 = arith.cmpi slt, %scan3A_41, %lt3A : i32
          %convert_element_type3A_58 = arith.extui %lt3A_57 : i1 to i32
          %cond3A_59 = arith.constant 0 : i32
          %cond3A_60 = arith.cmpi ne, %convert_element_type3A_58, %cond3A_59 : i32
          scf.if %cond3A_60 {
            %add3A_67 = arith.constant 2 : i32
            %add3A_68 = arith.addi %mul3A_43, %add3A_67 : i32
            %dma_start3A_69 = arith.constant 0 : i32
            %dma_start3A_70 = tpu.memref_slice %arg9[%add3A_68, %dma_start3A_69] : memref<40x128xi32, #tpu.memory_space<vmem>> -> memref<1x128xi32, #tpu.memory_space<vmem>>
            %dma_start3A_71 = tpu.memref_squeeze %dma_start3A_70 : memref<1x128xi32, #tpu.memory_space<vmem>> -> memref<128xi32, #tpu.memory_space<vmem>>
            %dma_start3A_72 = arith.constant 0 : i32
            %dma_start3A_73 = arith.constant 0 : i32
            %dma_start3A_74 = tpu.memref_slice %arg2[%dma_start3A_72, %dma_start3A_73] : memref<10000x128xf32, #tpu.memory_space<hbm>> -> memref<10000x128xf32, #tpu.memory_space<hbm>>
            tpu.enqueue_indirect_dma source(%dma_start3A_74 : memref<10000x128xf32, #tpu.memory_space<hbm>>) target(%arg11 : memref<128x128xf32, #tpu.memory_space<vmem>>) offsets(%dma_start3A_71 : memref<128xi32, #tpu.memory_space<vmem>>) semaphore(%arg14 : memref<!tpu.dma_semaphore, #tpu.memory_space<semaphore_mem>>)
          } else {
          }
          %dma_wait3A_61 = arith.constant 0 : i32
          %dma_wait3A_62 = tpu.memref_slice %arg9[%add3A_45, %dma_wait3A_61] : memref<40x128xi32, #tpu.memory_space<vmem>> -> memref<1x128xi32, #tpu.memory_space<vmem>>
          %dma_wait3A_63 = tpu.memref_squeeze %dma_wait3A_62 : memref<1x128xi32, #tpu.memory_space<vmem>> -> memref<128xi32, #tpu.memory_space<vmem>>
          %dma_wait3A_64 = arith.constant 0 : i32
          %dma_wait3A_65 = arith.constant 0 : i32
          %dma_wait3A_66 = tpu.memref_slice %arg2[%dma_wait3A_64, %dma_wait3A_65] : memref<10000x128xf32, #tpu.memory_space<hbm>> -> memref<10000x128xf32, #tpu.memory_space<hbm>>
          tpu.wait_indirect_dma semaphore(%arg15 : memref<!tpu.dma_semaphore, #tpu.memory_space<semaphore_mem>>) src(%dma_wait3A_66 : memref<10000x128xf32, #tpu.memory_space<hbm>>) dst(%arg12 : memref<128x128xf32, #tpu.memory_space<vmem>>)
          "tpu.region"() ({
            %run_scoped3A = tpu.sem_alloc : memref<!tpu.dma_semaphore, #tpu.memory_space<semaphore_mem>>
            %dma_start3A_67 = arith.constant 0 : i32
            %dma_start3A_68 = tpu.memref_slice %arg10[%add3A_45, %dma_start3A_67] : memref<40x128xi32, #tpu.memory_space<vmem>> -> memref<1x128xi32, #tpu.memory_space<vmem>>
            %dma_start3A_69 = tpu.memref_squeeze %dma_start3A_68 : memref<1x128xi32, #tpu.memory_space<vmem>> -> memref<128xi32, #tpu.memory_space<vmem>>
            %dma_start3A_70 = arith.constant 0 : i32
            %dma_start3A_71 = arith.constant 0 : i32
            %dma_start3A_72 = tpu.memref_slice %arg13[%dma_start3A_70, %dma_start3A_71] : memref<10112x128xf32, #tpu.memory_space<vmem_shared>> -> memref<10112x128xf32, #tpu.memory_space<vmem_shared>>
            tpu.enqueue_indirect_dma source(%arg12 : memref<128x128xf32, #tpu.memory_space<vmem>>) target(%dma_start3A_72 : memref<10112x128xf32, #tpu.memory_space<vmem_shared>>) offsets(%dma_start3A_69 : memref<128xi32, #tpu.memory_space<vmem>>) semaphore(%run_scoped3A : memref<!tpu.dma_semaphore, #tpu.memory_space<semaphore_mem>>) {add = true}
            %dma_wait3A_73 = arith.constant 0 : i32
            %dma_wait3A_74 = tpu.memref_slice %arg10[%add3A_45, %dma_wait3A_73] : memref<40x128xi32, #tpu.memory_space<vmem>> -> memref<1x128xi32, #tpu.memory_space<vmem>>
            %dma_wait3A_75 = tpu.memref_squeeze %dma_wait3A_74 : memref<1x128xi32, #tpu.memory_space<vmem>> -> memref<128xi32, #tpu.memory_space<vmem>>
            %dma_wait3A_76 = arith.constant 0 : i32
            %dma_wait3A_77 = arith.constant 0 : i32
            %dma_wait3A_78 = tpu.memref_slice %arg13[%dma_wait3A_76, %dma_wait3A_77] : memref<10112x128xf32, #tpu.memory_space<vmem_shared>> -> memref<10112x128xf32, #tpu.memory_space<vmem_shared>>
            tpu.wait_indirect_dma semaphore(%run_scoped3A : memref<!tpu.dma_semaphore, #tpu.memory_space<semaphore_mem>>) src(%arg12 : memref<128x128xf32, #tpu.memory_space<vmem>>) dst(%dma_wait3A_78 : memref<10112x128xf32, #tpu.memory_space<vmem_shared>>)
            tpu.yield
          }) : () -> ()
        }
        %scan3A_40 = arith.constant 20 : i32
      }
      %scan3A_25 = arith.constant 2 : i32
    } else {
    }
    %eq3A_5 = arith.constant 1 : i32
    %eq3A_6 = arith.cmpi eq, %arg0, %eq3A_5 : i32
    %convert_element_type3A_7 = arith.extui %eq3A_6 : i1 to i32
    %cond3A_8 = arith.constant 0 : i32
    %cond3A_9 = arith.cmpi ne, %convert_element_type3A_7, %cond3A_8 : i32
    scf.if %cond3A_9 {
      %scan3A = arith.constant 0 : i32
      %scan3A_21 = arith.constant 0 : i32
      %scan3A_22 = arith.constant 2 : i32
      %scan3A_23 = arith.addi %scan3A_21, %scan3A_22 : i32
      %scan3A_24 = arith.constant 1 : i32
      scf.for %scan3A_26 = %scan3A_21 to %scan3A_23 step %scan3A_24  : i32 {
        %mul3A_27 = arith.constant 40 : i32
        %mul3A_28 = arith.muli %scan3A_26, %mul3A_27 : i32
        %add3A = arith.addi %mul3A_0, %mul3A_28 : i32
        %multiple_of3A = tpu.assume_multiple %add3A, 8 : i32
        "tpu.region"() ({
          %run_scoped3A = tpu.sem_alloc : memref<!tpu.dma_semaphore, #tpu.memory_space<semaphore_mem>>
          %dma_start3A_41 = arith.constant 0 : i32
          %dma_start3A_42 = tpu.memref_slice %arg4[%multiple_of3A, %dma_start3A_41] : memref<1280x128xi32, #tpu.memory_space<hbm>> -> memref<40x128xi32, #tpu.memory_space<hbm>>
          %dma_start3A_43 = arith.constant 0 : i32
          %dma_start3A_44 = tpu.memref_slice %arg4[%multiple_of3A, %dma_start3A_43] : memref<1280x128xi32, #tpu.memory_space<hbm>> -> memref<40x128xi32, #tpu.memory_space<hbm>>
          tpu.enqueue_dma source(%dma_start3A_44 : memref<40x128xi32, #tpu.memory_space<hbm>>) target(%arg9 : memref<40x128xi32, #tpu.memory_space<vmem>>) target_semaphore(%run_scoped3A : memref<!tpu.dma_semaphore, #tpu.memory_space<semaphore_mem>>)
          %dma_wait3A = arith.constant 0 : i32
          %dma_wait3A_45 = tpu.memref_slice %arg4[%multiple_of3A, %dma_wait3A] : memref<1280x128xi32, #tpu.memory_space<hbm>> -> memref<40x128xi32, #tpu.memory_space<hbm>>
          %dma_wait3A_46 = arith.constant 0 : i32
          %dma_wait3A_47 = tpu.memref_slice %arg4[%multiple_of3A, %dma_wait3A_46] : memref<1280x128xi32, #tpu.memory_space<hbm>> -> memref<40x128xi32, #tpu.memory_space<hbm>>
          tpu.wait_dma2 semaphore(%run_scoped3A : memref<!tpu.dma_semaphore, #tpu.memory_space<semaphore_mem>>) src(%dma_wait3A_47 : memref<40x128xi32, #tpu.memory_space<hbm>>) dst(%arg9 : memref<40x128xi32, #tpu.memory_space<vmem>>)
          tpu.yield
        }) : () -> ()
        "tpu.region"() ({
          %run_scoped3A = tpu.sem_alloc : memref<!tpu.dma_semaphore, #tpu.memory_space<semaphore_mem>>
          %dma_start3A_41 = arith.constant 0 : i32
          %dma_start3A_42 = tpu.memref_slice %arg5[%multiple_of3A, %dma_start3A_41] : memref<1280x128xi32, #tpu.memory_space<hbm>> -> memref<40x128xi32, #tpu.memory_space<hbm>>
          %dma_start3A_43 = arith.constant 0 : i32
          %dma_start3A_44 = tpu.memref_slice %arg5[%multiple_of3A, %dma_start3A_43] : memref<1280x128xi32, #tpu.memory_space<hbm>> -> memref<40x128xi32, #tpu.memory_space<hbm>>
          tpu.enqueue_dma source(%dma_start3A_44 : memref<40x128xi32, #tpu.memory_space<hbm>>) target(%arg10 : memref<40x128xi32, #tpu.memory_space<vmem>>) target_semaphore(%run_scoped3A : memref<!tpu.dma_semaphore, #tpu.memory_space<semaphore_mem>>)
          %dma_wait3A = arith.constant 0 : i32
          %dma_wait3A_45 = tpu.memref_slice %arg5[%multiple_of3A, %dma_wait3A] : memref<1280x128xi32, #tpu.memory_space<hbm>> -> memref<40x128xi32, #tpu.memory_space<hbm>>
          %dma_wait3A_46 = arith.constant 0 : i32
          %dma_wait3A_47 = tpu.memref_slice %arg5[%multiple_of3A, %dma_wait3A_46] : memref<1280x128xi32, #tpu.memory_space<hbm>> -> memref<40x128xi32, #tpu.memory_space<hbm>>
          tpu.wait_dma2 semaphore(%run_scoped3A : memref<!tpu.dma_semaphore, #tpu.memory_space<semaphore_mem>>) src(%dma_wait3A_47 : memref<40x128xi32, #tpu.memory_space<hbm>>) dst(%arg10 : memref<40x128xi32, #tpu.memory_space<vmem>>)
          tpu.yield
        }) : () -> ()
        %dma_start3A = arith.constant 0 : i32
        %dma_start3A_29 = arith.constant 0 : i32
        %dma_start3A_30 = tpu.memref_slice %arg9[%dma_start3A, %dma_start3A_29] : memref<40x128xi32, #tpu.memory_space<vmem>> -> memref<1x128xi32, #tpu.memory_space<vmem>>
        %dma_start3A_31 = tpu.memref_squeeze %dma_start3A_30 : memref<1x128xi32, #tpu.memory_space<vmem>> -> memref<128xi32, #tpu.memory_space<vmem>>
        %dma_start3A_32 = arith.constant 0 : i32
        %dma_start3A_33 = arith.constant 0 : i32
        %dma_start3A_34 = tpu.memref_slice %arg3[%dma_start3A_32, %dma_start3A_33] : memref<10000x128xf32, #tpu.memory_space<hbm>> -> memref<10000x128xf32, #tpu.memory_space<hbm>>
        tpu.enqueue_indirect_dma source(%dma_start3A_34 : memref<10000x128xf32, #tpu.memory_space<hbm>>) target(%arg11 : memref<128x128xf32, #tpu.memory_space<vmem>>) offsets(%dma_start3A_31 : memref<128xi32, #tpu.memory_space<vmem>>) semaphore(%arg14 : memref<!tpu.dma_semaphore, #tpu.memory_space<semaphore_mem>>)
        %scan3A_35 = arith.constant 0 : i32
        %scan3A_36 = arith.constant 0 : i32
        %scan3A_37 = arith.constant 20 : i32
        %scan3A_38 = arith.addi %scan3A_36, %scan3A_37 : i32
        %scan3A_39 = arith.constant 1 : i32
        scf.for %scan3A_41 = %scan3A_36 to %scan3A_38 step %scan3A_39  : i32 {
          %mul3A_42 = arith.constant 2 : i32
          %mul3A_43 = arith.muli %scan3A_41, %mul3A_42 : i32
          %add3A_44 = arith.constant 1 : i32
          %add3A_45 = arith.addi %mul3A_43, %add3A_44 : i32
          %dma_start3A_46 = arith.constant 0 : i32
          %dma_start3A_47 = tpu.memref_slice %arg9[%add3A_45, %dma_start3A_46] : memref<40x128xi32, #tpu.memory_space<vmem>> -> memref<1x128xi32, #tpu.memory_space<vmem>>
          %dma_start3A_48 = tpu.memref_squeeze %dma_start3A_47 : memref<1x128xi32, #tpu.memory_space<vmem>> -> memref<128xi32, #tpu.memory_space<vmem>>
          %dma_start3A_49 = arith.constant 0 : i32
          %dma_start3A_50 = arith.constant 0 : i32
          %dma_start3A_51 = tpu.memref_slice %arg3[%dma_start3A_49, %dma_start3A_50] : memref<10000x128xf32, #tpu.memory_space<hbm>> -> memref<10000x128xf32, #tpu.memory_space<hbm>>
          tpu.enqueue_indirect_dma source(%dma_start3A_51 : memref<10000x128xf32, #tpu.memory_space<hbm>>) target(%arg12 : memref<128x128xf32, #tpu.memory_space<vmem>>) offsets(%dma_start3A_48 : memref<128xi32, #tpu.memory_space<vmem>>) semaphore(%arg15 : memref<!tpu.dma_semaphore, #tpu.memory_space<semaphore_mem>>)
          %dma_wait3A = arith.constant 0 : i32
          %dma_wait3A_52 = tpu.memref_slice %arg9[%mul3A_43, %dma_wait3A] : memref<40x128xi32, #tpu.memory_space<vmem>> -> memref<1x128xi32, #tpu.memory_space<vmem>>
          %dma_wait3A_53 = tpu.memref_squeeze %dma_wait3A_52 : memref<1x128xi32, #tpu.memory_space<vmem>> -> memref<128xi32, #tpu.memory_space<vmem>>
          %dma_wait3A_54 = arith.constant 0 : i32
          %dma_wait3A_55 = arith.constant 0 : i32
          %dma_wait3A_56 = tpu.memref_slice %arg3[%dma_wait3A_54, %dma_wait3A_55] : memref<10000x128xf32, #tpu.memory_space<hbm>> -> memref<10000x128xf32, #tpu.memory_space<hbm>>
          tpu.wait_indirect_dma semaphore(%arg14 : memref<!tpu.dma_semaphore, #tpu.memory_space<semaphore_mem>>) src(%dma_wait3A_56 : memref<10000x128xf32, #tpu.memory_space<hbm>>) dst(%arg11 : memref<128x128xf32, #tpu.memory_space<vmem>>)
          "tpu.region"() ({
            %run_scoped3A = tpu.sem_alloc : memref<!tpu.dma_semaphore, #tpu.memory_space<semaphore_mem>>
            %dma_start3A_67 = arith.constant 0 : i32
            %dma_start3A_68 = tpu.memref_slice %arg10[%mul3A_43, %dma_start3A_67] : memref<40x128xi32, #tpu.memory_space<vmem>> -> memref<1x128xi32, #tpu.memory_space<vmem>>
            %dma_start3A_69 = tpu.memref_squeeze %dma_start3A_68 : memref<1x128xi32, #tpu.memory_space<vmem>> -> memref<128xi32, #tpu.memory_space<vmem>>
            %dma_start3A_70 = arith.constant 0 : i32
            %dma_start3A_71 = arith.constant 0 : i32
            %dma_start3A_72 = tpu.memref_slice %arg13[%dma_start3A_70, %dma_start3A_71] : memref<10112x128xf32, #tpu.memory_space<vmem_shared>> -> memref<10112x128xf32, #tpu.memory_space<vmem_shared>>
            tpu.enqueue_indirect_dma source(%arg11 : memref<128x128xf32, #tpu.memory_space<vmem>>) target(%dma_start3A_72 : memref<10112x128xf32, #tpu.memory_space<vmem_shared>>) offsets(%dma_start3A_69 : memref<128xi32, #tpu.memory_space<vmem>>) semaphore(%run_scoped3A : memref<!tpu.dma_semaphore, #tpu.memory_space<semaphore_mem>>) {add = true}
            %dma_wait3A_73 = arith.constant 0 : i32
            %dma_wait3A_74 = tpu.memref_slice %arg10[%mul3A_43, %dma_wait3A_73] : memref<40x128xi32, #tpu.memory_space<vmem>> -> memref<1x128xi32, #tpu.memory_space<vmem>>
            %dma_wait3A_75 = tpu.memref_squeeze %dma_wait3A_74 : memref<1x128xi32, #tpu.memory_space<vmem>> -> memref<128xi32, #tpu.memory_space<vmem>>
            %dma_wait3A_76 = arith.constant 0 : i32
            %dma_wait3A_77 = arith.constant 0 : i32
            %dma_wait3A_78 = tpu.memref_slice %arg13[%dma_wait3A_76, %dma_wait3A_77] : memref<10112x128xf32, #tpu.memory_space<vmem_shared>> -> memref<10112x128xf32, #tpu.memory_space<vmem_shared>>
            tpu.wait_indirect_dma semaphore(%run_scoped3A : memref<!tpu.dma_semaphore, #tpu.memory_space<semaphore_mem>>) src(%arg11 : memref<128x128xf32, #tpu.memory_space<vmem>>) dst(%dma_wait3A_78 : memref<10112x128xf32, #tpu.memory_space<vmem_shared>>)
            tpu.yield
          }) : () -> ()
          %lt3A = arith.constant 19 : i32
          %lt3A_57 = arith.cmpi slt, %scan3A_41, %lt3A : i32
          %convert_element_type3A_58 = arith.extui %lt3A_57 : i1 to i32
          %cond3A_59 = arith.constant 0 : i32
          %cond3A_60 = arith.cmpi ne, %convert_element_type3A_58, %cond3A_59 : i32
          scf.if %cond3A_60 {
            %add3A_67 = arith.constant 2 : i32
            %add3A_68 = arith.addi %mul3A_43, %add3A_67 : i32
            %dma_start3A_69 = arith.constant 0 : i32
            %dma_start3A_70 = tpu.memref_slice %arg9[%add3A_68, %dma_start3A_69] : memref<40x128xi32, #tpu.memory_space<vmem>> -> memref<1x128xi32, #tpu.memory_space<vmem>>
            %dma_start3A_71 = tpu.memref_squeeze %dma_start3A_70 : memref<1x128xi32, #tpu.memory_space<vmem>> -> memref<128xi32, #tpu.memory_space<vmem>>
            %dma_start3A_72 = arith.constant 0 : i32
            %dma_start3A_73 = arith.constant 0 : i32
            %dma_start3A_74 = tpu.memref_slice %arg3[%dma_start3A_72, %dma_start3A_73] : memref<10000x128xf32, #tpu.memory_space<hbm>> -> memref<10000x128xf32, #tpu.memory_space<hbm>>
            tpu.enqueue_indirect_dma source(%dma_start3A_74 : memref<10000x128xf32, #tpu.memory_space<hbm>>) target(%arg11 : memref<128x128xf32, #tpu.memory_space<vmem>>) offsets(%dma_start3A_71 : memref<128xi32, #tpu.memory_space<vmem>>) semaphore(%arg14 : memref<!tpu.dma_semaphore, #tpu.memory_space<semaphore_mem>>)
          } else {
          }
          %dma_wait3A_61 = arith.constant 0 : i32
          %dma_wait3A_62 = tpu.memref_slice %arg9[%add3A_45, %dma_wait3A_61] : memref<40x128xi32, #tpu.memory_space<vmem>> -> memref<1x128xi32, #tpu.memory_space<vmem>>
          %dma_wait3A_63 = tpu.memref_squeeze %dma_wait3A_62 : memref<1x128xi32, #tpu.memory_space<vmem>> -> memref<128xi32, #tpu.memory_space<vmem>>
          %dma_wait3A_64 = arith.constant 0 : i32
          %dma_wait3A_65 = arith.constant 0 : i32
          %dma_wait3A_66 = tpu.memref_slice %arg3[%dma_wait3A_64, %dma_wait3A_65] : memref<10000x128xf32, #tpu.memory_space<hbm>> -> memref<10000x128xf32, #tpu.memory_space<hbm>>
          tpu.wait_indirect_dma semaphore(%arg15 : memref<!tpu.dma_semaphore, #tpu.memory_space<semaphore_mem>>) src(%dma_wait3A_66 : memref<10000x128xf32, #tpu.memory_space<hbm>>) dst(%arg12 : memref<128x128xf32, #tpu.memory_space<vmem>>)
          "tpu.region"() ({
            %run_scoped3A = tpu.sem_alloc : memref<!tpu.dma_semaphore, #tpu.memory_space<semaphore_mem>>
            %dma_start3A_67 = arith.constant 0 : i32
            %dma_start3A_68 = tpu.memref_slice %arg10[%add3A_45, %dma_start3A_67] : memref<40x128xi32, #tpu.memory_space<vmem>> -> memref<1x128xi32, #tpu.memory_space<vmem>>
            %dma_start3A_69 = tpu.memref_squeeze %dma_start3A_68 : memref<1x128xi32, #tpu.memory_space<vmem>> -> memref<128xi32, #tpu.memory_space<vmem>>
            %dma_start3A_70 = arith.constant 0 : i32
            %dma_start3A_71 = arith.constant 0 : i32
            %dma_start3A_72 = tpu.memref_slice %arg13[%dma_start3A_70, %dma_start3A_71] : memref<10112x128xf32, #tpu.memory_space<vmem_shared>> -> memref<10112x128xf32, #tpu.memory_space<vmem_shared>>
            tpu.enqueue_indirect_dma source(%arg12 : memref<128x128xf32, #tpu.memory_space<vmem>>) target(%dma_start3A_72 : memref<10112x128xf32, #tpu.memory_space<vmem_shared>>) offsets(%dma_start3A_69 : memref<128xi32, #tpu.memory_space<vmem>>) semaphore(%run_scoped3A : memref<!tpu.dma_semaphore, #tpu.memory_space<semaphore_mem>>) {add = true}
            %dma_wait3A_73 = arith.constant 0 : i32
            %dma_wait3A_74 = tpu.memref_slice %arg10[%add3A_45, %dma_wait3A_73] : memref<40x128xi32, #tpu.memory_space<vmem>> -> memref<1x128xi32, #tpu.memory_space<vmem>>
            %dma_wait3A_75 = tpu.memref_squeeze %dma_wait3A_74 : memref<1x128xi32, #tpu.memory_space<vmem>> -> memref<128xi32, #tpu.memory_space<vmem>>
            %dma_wait3A_76 = arith.constant 0 : i32
            %dma_wait3A_77 = arith.constant 0 : i32
            %dma_wait3A_78 = tpu.memref_slice %arg13[%dma_wait3A_76, %dma_wait3A_77] : memref<10112x128xf32, #tpu.memory_space<vmem_shared>> -> memref<10112x128xf32, #tpu.memory_space<vmem_shared>>
            tpu.wait_indirect_dma semaphore(%run_scoped3A : memref<!tpu.dma_semaphore, #tpu.memory_space<semaphore_mem>>) src(%arg12 : memref<128x128xf32, #tpu.memory_space<vmem>>) dst(%dma_wait3A_78 : memref<10112x128xf32, #tpu.memory_space<vmem_shared>>)
            tpu.yield
          }) : () -> ()
        }
        %scan3A_40 = arith.constant 20 : i32
      }
      %scan3A_25 = arith.constant 2 : i32
    } else {
    }
    %barrier3A_10 = arith.constant 0 : index
    tpu.barrier barrier_id(%barrier3A_10)
    %eq3A_11 = arith.constant 0 : i32
    %eq3A_12 = arith.cmpi eq, %arg0, %eq3A_11 : i32
    %convert_element_type3A_13 = arith.extui %eq3A_12 : i1 to i32
    %cond3A_14 = arith.constant 0 : i32
    %cond3A_15 = arith.cmpi ne, %convert_element_type3A_13, %cond3A_14 : i32
    scf.if %cond3A_15 {
      "tpu.region"() ({
        %run_scoped3A = tpu.sem_alloc : memref<!tpu.dma_semaphore, #tpu.memory_space<semaphore_mem>>
        %dma_start3A = arith.constant 0 : i32
        %dma_start3A_21 = tpu.memref_slice %arg7[%mul3A_2, %dma_start3A] : memref<10112x128xf32, #tpu.memory_space<hbm>> -> memref<632x128xf32, #tpu.memory_space<hbm>>
        %dma_start3A_22 = arith.constant 0 : i32
        %dma_start3A_23 = tpu.memref_slice %arg13[%mul3A_2, %dma_start3A_22] : memref<10112x128xf32, #tpu.memory_space<vmem_shared>> -> memref<632x128xf32, #tpu.memory_space<vmem_shared>>
        tpu.enqueue_dma source(%dma_start3A_23 : memref<632x128xf32, #tpu.memory_space<vmem_shared>>) target(%dma_start3A_21 : memref<632x128xf32, #tpu.memory_space<hbm>>) target_semaphore(%run_scoped3A : memref<!tpu.dma_semaphore, #tpu.memory_space<semaphore_mem>>)
        %dma_wait3A = arith.constant 0 : i32
        %dma_wait3A_24 = tpu.memref_slice %arg7[%mul3A_2, %dma_wait3A] : memref<10112x128xf32, #tpu.memory_space<hbm>> -> memref<632x128xf32, #tpu.memory_space<hbm>>
        %dma_wait3A_25 = arith.constant 0 : i32
        %dma_wait3A_26 = tpu.memref_slice %arg13[%mul3A_2, %dma_wait3A_25] : memref<10112x128xf32, #tpu.memory_space<vmem_shared>> -> memref<632x128xf32, #tpu.memory_space<vmem_shared>>
        tpu.wait_dma2 semaphore(%run_scoped3A : memref<!tpu.dma_semaphore, #tpu.memory_space<semaphore_mem>>) src(%dma_wait3A_26 : memref<632x128xf32, #tpu.memory_space<vmem_shared>>) dst(%dma_wait3A_24 : memref<632x128xf32, #tpu.memory_space<hbm>>)
        tpu.yield
      }) : () -> ()
    } else {
    }
    %eq3A_16 = arith.constant 1 : i32
    %eq3A_17 = arith.cmpi eq, %arg0, %eq3A_16 : i32
    %convert_element_type3A_18 = arith.extui %eq3A_17 : i1 to i32
    %cond3A_19 = arith.constant 0 : i32
    %cond3A_20 = arith.cmpi ne, %convert_element_type3A_18, %cond3A_19 : i32
    scf.if %cond3A_20 {
      "tpu.region"() ({
        %run_scoped3A = tpu.sem_alloc : memref<!tpu.dma_semaphore, #tpu.memory_space<semaphore_mem>>
        %dma_start3A = arith.constant 0 : i32
        %dma_start3A_21 = tpu.memref_slice %arg8[%mul3A_2, %dma_start3A] : memref<10112x128xf32, #tpu.memory_space<hbm>> -> memref<632x128xf32, #tpu.memory_space<hbm>>
        %dma_start3A_22 = arith.constant 0 : i32
        %dma_start3A_23 = tpu.memref_slice %arg13[%mul3A_2, %dma_start3A_22] : memref<10112x128xf32, #tpu.memory_space<vmem_shared>> -> memref<632x128xf32, #tpu.memory_space<vmem_shared>>
        tpu.enqueue_dma source(%dma_start3A_23 : memref<632x128xf32, #tpu.memory_space<vmem_shared>>) target(%dma_start3A_21 : memref<632x128xf32, #tpu.memory_space<hbm>>) target_semaphore(%run_scoped3A : memref<!tpu.dma_semaphore, #tpu.memory_space<semaphore_mem>>)
        %dma_wait3A = arith.constant 0 : i32
        %dma_wait3A_24 = tpu.memref_slice %arg8[%mul3A_2, %dma_wait3A] : memref<10112x128xf32, #tpu.memory_space<hbm>> -> memref<632x128xf32, #tpu.memory_space<hbm>>
        %dma_wait3A_25 = arith.constant 0 : i32
        %dma_wait3A_26 = tpu.memref_slice %arg13[%mul3A_2, %dma_wait3A_25] : memref<10112x128xf32, #tpu.memory_space<vmem_shared>> -> memref<632x128xf32, #tpu.memory_space<vmem_shared>>
        tpu.wait_dma2 semaphore(%run_scoped3A : memref<!tpu.dma_semaphore, #tpu.memory_space<semaphore_mem>>) src(%dma_wait3A_26 : memref<632x128xf32, #tpu.memory_space<vmem_shared>>) dst(%dma_wait3A_24 : memref<632x128xf32, #tpu.memory_space<hbm>>)
        tpu.yield
      }) : () -> ()
    } else {
    }
    return
  }
}

#map = affine_map<(d0, d1) -> (0, 0)>
module attributes {stable_mosaic.version = 14 : i64} {
  func.func @_l2_body(%arg0: i32, %arg1: i32, %arg2: memref<10112x128xf32, #tpu.memory_space<hbm>>, %arg3: memref<1280x128xi32, #tpu.memory_space<hbm>>, %arg4: memref<1280x128xi32, #tpu.memory_space<hbm>>, %arg5: memref<632x128xf32, #tpu.memory_space<hbm>>, %arg6: memref<10112x128xf32, #tpu.memory_space<hbm>>, %arg7: memref<10112x128xf32, #tpu.memory_space<hbm>>, %arg8: memref<40x128xi32, #tpu.memory_space<vmem>>, %arg9: memref<40x128xi32, #tpu.memory_space<vmem>>, %arg10: memref<128x128xf32, #tpu.memory_space<vmem>>, %arg11: memref<128x128xf32, #tpu.memory_space<vmem>>, %arg12: memref<10112x128xf32, #tpu.memory_space<vmem_shared>>, %arg13: memref<!tpu.dma_semaphore, #tpu.memory_space<semaphore_mem>>, %arg14: memref<!tpu.dma_semaphore, #tpu.memory_space<semaphore_mem>>) attributes {dimension_semantics = [#tpu.dimension_semantics<core_parallel>, #tpu.dimension_semantics<subcore_parallel>], iteration_bounds = array<i64: 2, 16>, scalar_prefetch = 0 : i64, scratch_operands = 7 : i64, tpu.core_type = #tpu.core_type<sc_vector_subcore>, window_params = [{transform_indices = #map}, {transform_indices = #map}, {transform_indices = #map}, {transform_indices = #map}, {transform_indices = #map}, {transform_indices = #map}]} {
    %mul3A = arith.constant 2 : i32
    %mul3A_0 = arith.muli %arg1, %mul3A : i32
    %add3A = arith.addi %mul3A_0, %arg0 : i32
    %mul3A_1 = arith.constant 40 : i32
    %mul3A_2 = arith.muli %add3A, %mul3A_1 : i32
    %mul3A_3 = arith.constant 632 : i32
    %mul3A_4 = arith.muli %arg1, %mul3A_3 : i32
    "tpu.region"() ({
      %run_scoped3A = tpu.sem_alloc : memref<!tpu.dma_semaphore, #tpu.memory_space<semaphore_mem>>
      %dma_start3A_30 = arith.constant 0 : i32
      %dma_start3A_31 = tpu.memref_slice %arg12[%mul3A_4, %dma_start3A_30] : memref<10112x128xf32, #tpu.memory_space<vmem_shared>> -> memref<632x128xf32, #tpu.memory_space<vmem_shared>>
      tpu.enqueue_dma source(%arg5 : memref<632x128xf32, #tpu.memory_space<hbm>>) target(%dma_start3A_31 : memref<632x128xf32, #tpu.memory_space<vmem_shared>>) target_semaphore(%run_scoped3A : memref<!tpu.dma_semaphore, #tpu.memory_space<semaphore_mem>>)
      %dma_wait3A = arith.constant 0 : i32
      %dma_wait3A_32 = tpu.memref_slice %arg12[%mul3A_4, %dma_wait3A] : memref<10112x128xf32, #tpu.memory_space<vmem_shared>> -> memref<632x128xf32, #tpu.memory_space<vmem_shared>>
      tpu.wait_dma2 semaphore(%run_scoped3A : memref<!tpu.dma_semaphore, #tpu.memory_space<semaphore_mem>>) src(%arg5 : memref<632x128xf32, #tpu.memory_space<hbm>>) dst(%dma_wait3A_32 : memref<632x128xf32, #tpu.memory_space<vmem_shared>>)
      tpu.yield
    }) : () -> ()
    %barrier3A = arith.constant 0 : index
    tpu.barrier barrier_id(%barrier3A)
    %scan3A = arith.constant 0 : i32
    %scan3A_5 = arith.constant 0 : i32
    %mul3A_6 = arith.constant 40 : i32
    %mul3A_7 = arith.muli %scan3A_5, %mul3A_6 : i32
    %add3A_8 = arith.addi %mul3A_2, %mul3A_7 : i32
    %multiple_of3A = tpu.assume_multiple %add3A_8, 8 : i32
    "tpu.region"() ({
      %run_scoped3A = tpu.sem_alloc : memref<!tpu.dma_semaphore, #tpu.memory_space<semaphore_mem>>
      %dma_start3A_30 = arith.constant 0 : i32
      %dma_start3A_31 = tpu.memref_slice %arg3[%multiple_of3A, %dma_start3A_30] : memref<1280x128xi32, #tpu.memory_space<hbm>> -> memref<40x128xi32, #tpu.memory_space<hbm>>
      %dma_start3A_32 = arith.constant 0 : i32
      %dma_start3A_33 = tpu.memref_slice %arg3[%multiple_of3A, %dma_start3A_32] : memref<1280x128xi32, #tpu.memory_space<hbm>> -> memref<40x128xi32, #tpu.memory_space<hbm>>
      tpu.enqueue_dma source(%dma_start3A_33 : memref<40x128xi32, #tpu.memory_space<hbm>>) target(%arg8 : memref<40x128xi32, #tpu.memory_space<vmem>>) target_semaphore(%run_scoped3A : memref<!tpu.dma_semaphore, #tpu.memory_space<semaphore_mem>>)
      %dma_wait3A = arith.constant 0 : i32
      %dma_wait3A_34 = tpu.memref_slice %arg3[%multiple_of3A, %dma_wait3A] : memref<1280x128xi32, #tpu.memory_space<hbm>> -> memref<40x128xi32, #tpu.memory_space<hbm>>
      %dma_wait3A_35 = arith.constant 0 : i32
      %dma_wait3A_36 = tpu.memref_slice %arg3[%multiple_of3A, %dma_wait3A_35] : memref<1280x128xi32, #tpu.memory_space<hbm>> -> memref<40x128xi32, #tpu.memory_space<hbm>>
      tpu.wait_dma2 semaphore(%run_scoped3A : memref<!tpu.dma_semaphore, #tpu.memory_space<semaphore_mem>>) src(%dma_wait3A_36 : memref<40x128xi32, #tpu.memory_space<hbm>>) dst(%arg8 : memref<40x128xi32, #tpu.memory_space<vmem>>)
      tpu.yield
    }) : () -> ()
    "tpu.region"() ({
      %run_scoped3A = tpu.sem_alloc : memref<!tpu.dma_semaphore, #tpu.memory_space<semaphore_mem>>
      %dma_start3A_30 = arith.constant 0 : i32
      %dma_start3A_31 = tpu.memref_slice %arg4[%multiple_of3A, %dma_start3A_30] : memref<1280x128xi32, #tpu.memory_space<hbm>> -> memref<40x128xi32, #tpu.memory_space<hbm>>
      %dma_start3A_32 = arith.constant 0 : i32
      %dma_start3A_33 = tpu.memref_slice %arg4[%multiple_of3A, %dma_start3A_32] : memref<1280x128xi32, #tpu.memory_space<hbm>> -> memref<40x128xi32, #tpu.memory_space<hbm>>
      tpu.enqueue_dma source(%dma_start3A_33 : memref<40x128xi32, #tpu.memory_space<hbm>>) target(%arg9 : memref<40x128xi32, #tpu.memory_space<vmem>>) target_semaphore(%run_scoped3A : memref<!tpu.dma_semaphore, #tpu.memory_space<semaphore_mem>>)
      %dma_wait3A = arith.constant 0 : i32
      %dma_wait3A_34 = tpu.memref_slice %arg4[%multiple_of3A, %dma_wait3A] : memref<1280x128xi32, #tpu.memory_space<hbm>> -> memref<40x128xi32, #tpu.memory_space<hbm>>
      %dma_wait3A_35 = arith.constant 0 : i32
      %dma_wait3A_36 = tpu.memref_slice %arg4[%multiple_of3A, %dma_wait3A_35] : memref<1280x128xi32, #tpu.memory_space<hbm>> -> memref<40x128xi32, #tpu.memory_space<hbm>>
      tpu.wait_dma2 semaphore(%run_scoped3A : memref<!tpu.dma_semaphore, #tpu.memory_space<semaphore_mem>>) src(%dma_wait3A_36 : memref<40x128xi32, #tpu.memory_space<hbm>>) dst(%arg9 : memref<40x128xi32, #tpu.memory_space<vmem>>)
      tpu.yield
    }) : () -> ()
    %dma_start3A = arith.constant 0 : i32
    %dma_start3A_9 = arith.constant 0 : i32
    %dma_start3A_10 = tpu.memref_slice %arg8[%dma_start3A, %dma_start3A_9] : memref<40x128xi32, #tpu.memory_space<vmem>> -> memref<1x128xi32, #tpu.memory_space<vmem>>
    %dma_start3A_11 = tpu.memref_squeeze %dma_start3A_10 : memref<1x128xi32, #tpu.memory_space<vmem>> -> memref<128xi32, #tpu.memory_space<vmem>>
    %dma_start3A_12 = arith.constant 0 : i32
    %dma_start3A_13 = arith.constant 0 : i32
    %dma_start3A_14 = tpu.memref_slice %arg2[%dma_start3A_12, %dma_start3A_13] : memref<10112x128xf32, #tpu.memory_space<hbm>> -> memref<10112x128xf32, #tpu.memory_space<hbm>>
    tpu.enqueue_indirect_dma source(%dma_start3A_14 : memref<10112x128xf32, #tpu.memory_space<hbm>>) target(%arg10 : memref<128x128xf32, #tpu.memory_space<vmem>>) offsets(%dma_start3A_11 : memref<128xi32, #tpu.memory_space<vmem>>) semaphore(%arg13 : memref<!tpu.dma_semaphore, #tpu.memory_space<semaphore_mem>>)
    %scan3A_15 = arith.constant 0 : i32
    %scan3A_16 = arith.constant 0 : i32
    %scan3A_17 = arith.constant 20 : i32
    %scan3A_18 = arith.addi %scan3A_16, %scan3A_17 : i32
    %scan3A_19 = arith.constant 1 : i32
    scf.for %scan3A_30 = %scan3A_16 to %scan3A_18 step %scan3A_19  : i32 {
      %mul3A_31 = arith.constant 2 : i32
      %mul3A_32 = arith.muli %scan3A_30, %mul3A_31 : i32
      %add3A_33 = arith.constant 1 : i32
      %add3A_34 = arith.addi %mul3A_32, %add3A_33 : i32
      %dma_start3A_35 = arith.constant 0 : i32
      %dma_start3A_36 = tpu.memref_slice %arg8[%add3A_34, %dma_start3A_35] : memref<40x128xi32, #tpu.memory_space<vmem>> -> memref<1x128xi32, #tpu.memory_space<vmem>>
      %dma_start3A_37 = tpu.memref_squeeze %dma_start3A_36 : memref<1x128xi32, #tpu.memory_space<vmem>> -> memref<128xi32, #tpu.memory_space<vmem>>
      %dma_start3A_38 = arith.constant 0 : i32
      %dma_start3A_39 = arith.constant 0 : i32
      %dma_start3A_40 = tpu.memref_slice %arg2[%dma_start3A_38, %dma_start3A_39] : memref<10112x128xf32, #tpu.memory_space<hbm>> -> memref<10112x128xf32, #tpu.memory_space<hbm>>
      tpu.enqueue_indirect_dma source(%dma_start3A_40 : memref<10112x128xf32, #tpu.memory_space<hbm>>) target(%arg11 : memref<128x128xf32, #tpu.memory_space<vmem>>) offsets(%dma_start3A_37 : memref<128xi32, #tpu.memory_space<vmem>>) semaphore(%arg14 : memref<!tpu.dma_semaphore, #tpu.memory_space<semaphore_mem>>)
      %dma_wait3A = arith.constant 0 : i32
      %dma_wait3A_41 = tpu.memref_slice %arg8[%mul3A_32, %dma_wait3A] : memref<40x128xi32, #tpu.memory_space<vmem>> -> memref<1x128xi32, #tpu.memory_space<vmem>>
      %dma_wait3A_42 = tpu.memref_squeeze %dma_wait3A_41 : memref<1x128xi32, #tpu.memory_space<vmem>> -> memref<128xi32, #tpu.memory_space<vmem>>
      %dma_wait3A_43 = arith.constant 0 : i32
      %dma_wait3A_44 = arith.constant 0 : i32
      %dma_wait3A_45 = tpu.memref_slice %arg2[%dma_wait3A_43, %dma_wait3A_44] : memref<10112x128xf32, #tpu.memory_space<hbm>> -> memref<10112x128xf32, #tpu.memory_space<hbm>>
      tpu.wait_indirect_dma semaphore(%arg13 : memref<!tpu.dma_semaphore, #tpu.memory_space<semaphore_mem>>) src(%dma_wait3A_45 : memref<10112x128xf32, #tpu.memory_space<hbm>>) dst(%arg10 : memref<128x128xf32, #tpu.memory_space<vmem>>)
      "tpu.region"() ({
        %run_scoped3A = tpu.sem_alloc : memref<!tpu.dma_semaphore, #tpu.memory_space<semaphore_mem>>
        %dma_start3A_56 = arith.constant 0 : i32
        %dma_start3A_57 = tpu.memref_slice %arg9[%mul3A_32, %dma_start3A_56] : memref<40x128xi32, #tpu.memory_space<vmem>> -> memref<1x128xi32, #tpu.memory_space<vmem>>
        %dma_start3A_58 = tpu.memref_squeeze %dma_start3A_57 : memref<1x128xi32, #tpu.memory_space<vmem>> -> memref<128xi32, #tpu.memory_space<vmem>>
        %dma_start3A_59 = arith.constant 0 : i32
        %dma_start3A_60 = arith.constant 0 : i32
        %dma_start3A_61 = tpu.memref_slice %arg12[%dma_start3A_59, %dma_start3A_60] : memref<10112x128xf32, #tpu.memory_space<vmem_shared>> -> memref<10112x128xf32, #tpu.memory_space<vmem_shared>>
        tpu.enqueue_indirect_dma source(%arg10 : memref<128x128xf32, #tpu.memory_space<vmem>>) target(%dma_start3A_61 : memref<10112x128xf32, #tpu.memory_space<vmem_shared>>) offsets(%dma_start3A_58 : memref<128xi32, #tpu.memory_space<vmem>>) semaphore(%run_scoped3A : memref<!tpu.dma_semaphore, #tpu.memory_space<semaphore_mem>>) {add = true}
        %dma_wait3A_62 = arith.constant 0 : i32
        %dma_wait3A_63 = tpu.memref_slice %arg9[%mul3A_32, %dma_wait3A_62] : memref<40x128xi32, #tpu.memory_space<vmem>> -> memref<1x128xi32, #tpu.memory_space<vmem>>
        %dma_wait3A_64 = tpu.memref_squeeze %dma_wait3A_63 : memref<1x128xi32, #tpu.memory_space<vmem>> -> memref<128xi32, #tpu.memory_space<vmem>>
        %dma_wait3A_65 = arith.constant 0 : i32
        %dma_wait3A_66 = arith.constant 0 : i32
        %dma_wait3A_67 = tpu.memref_slice %arg12[%dma_wait3A_65, %dma_wait3A_66] : memref<10112x128xf32, #tpu.memory_space<vmem_shared>> -> memref<10112x128xf32, #tpu.memory_space<vmem_shared>>
        tpu.wait_indirect_dma semaphore(%run_scoped3A : memref<!tpu.dma_semaphore, #tpu.memory_space<semaphore_mem>>) src(%arg10 : memref<128x128xf32, #tpu.memory_space<vmem>>) dst(%dma_wait3A_67 : memref<10112x128xf32, #tpu.memory_space<vmem_shared>>)
        tpu.yield
      }) : () -> ()
      %lt3A = arith.constant 19 : i32
      %lt3A_46 = arith.cmpi slt, %scan3A_30, %lt3A : i32
      %convert_element_type3A_47 = arith.extui %lt3A_46 : i1 to i32
      %cond3A_48 = arith.constant 0 : i32
      %cond3A_49 = arith.cmpi ne, %convert_element_type3A_47, %cond3A_48 : i32
      scf.if %cond3A_49 {
        %add3A_56 = arith.constant 2 : i32
        %add3A_57 = arith.addi %mul3A_32, %add3A_56 : i32
        %dma_start3A_58 = arith.constant 0 : i32
        %dma_start3A_59 = tpu.memref_slice %arg8[%add3A_57, %dma_start3A_58] : memref<40x128xi32, #tpu.memory_space<vmem>> -> memref<1x128xi32, #tpu.memory_space<vmem>>
        %dma_start3A_60 = tpu.memref_squeeze %dma_start3A_59 : memref<1x128xi32, #tpu.memory_space<vmem>> -> memref<128xi32, #tpu.memory_space<vmem>>
        %dma_start3A_61 = arith.constant 0 : i32
        %dma_start3A_62 = arith.constant 0 : i32
        %dma_start3A_63 = tpu.memref_slice %arg2[%dma_start3A_61, %dma_start3A_62] : memref<10112x128xf32, #tpu.memory_space<hbm>> -> memref<10112x128xf32, #tpu.memory_space<hbm>>
        tpu.enqueue_indirect_dma source(%dma_start3A_63 : memref<10112x128xf32, #tpu.memory_space<hbm>>) target(%arg10 : memref<128x128xf32, #tpu.memory_space<vmem>>) offsets(%dma_start3A_60 : memref<128xi32, #tpu.memory_space<vmem>>) semaphore(%arg13 : memref<!tpu.dma_semaphore, #tpu.memory_space<semaphore_mem>>)
      } else {
      }
      %dma_wait3A_50 = arith.constant 0 : i32
      %dma_wait3A_51 = tpu.memref_slice %arg8[%add3A_34, %dma_wait3A_50] : memref<40x128xi32, #tpu.memory_space<vmem>> -> memref<1x128xi32, #tpu.memory_space<vmem>>
      %dma_wait3A_52 = tpu.memref_squeeze %dma_wait3A_51 : memref<1x128xi32, #tpu.memory_space<vmem>> -> memref<128xi32, #tpu.memory_space<vmem>>
      %dma_wait3A_53 = arith.constant 0 : i32
      %dma_wait3A_54 = arith.constant 0 : i32
      %dma_wait3A_55 = tpu.memref_slice %arg2[%dma_wait3A_53, %dma_wait3A_54] : memref<10112x128xf32, #tpu.memory_space<hbm>> -> memref<10112x128xf32, #tpu.memory_space<hbm>>
      tpu.wait_indirect_dma semaphore(%arg14 : memref<!tpu.dma_semaphore, #tpu.memory_space<semaphore_mem>>) src(%dma_wait3A_55 : memref<10112x128xf32, #tpu.memory_space<hbm>>) dst(%arg11 : memref<128x128xf32, #tpu.memory_space<vmem>>)
      "tpu.region"() ({
        %run_scoped3A = tpu.sem_alloc : memref<!tpu.dma_semaphore, #tpu.memory_space<semaphore_mem>>
        %dma_start3A_56 = arith.constant 0 : i32
        %dma_start3A_57 = tpu.memref_slice %arg9[%add3A_34, %dma_start3A_56] : memref<40x128xi32, #tpu.memory_space<vmem>> -> memref<1x128xi32, #tpu.memory_space<vmem>>
        %dma_start3A_58 = tpu.memref_squeeze %dma_start3A_57 : memref<1x128xi32, #tpu.memory_space<vmem>> -> memref<128xi32, #tpu.memory_space<vmem>>
        %dma_start3A_59 = arith.constant 0 : i32
        %dma_start3A_60 = arith.constant 0 : i32
        %dma_start3A_61 = tpu.memref_slice %arg12[%dma_start3A_59, %dma_start3A_60] : memref<10112x128xf32, #tpu.memory_space<vmem_shared>> -> memref<10112x128xf32, #tpu.memory_space<vmem_shared>>
        tpu.enqueue_indirect_dma source(%arg11 : memref<128x128xf32, #tpu.memory_space<vmem>>) target(%dma_start3A_61 : memref<10112x128xf32, #tpu.memory_space<vmem_shared>>) offsets(%dma_start3A_58 : memref<128xi32, #tpu.memory_space<vmem>>) semaphore(%run_scoped3A : memref<!tpu.dma_semaphore, #tpu.memory_space<semaphore_mem>>) {add = true}
        %dma_wait3A_62 = arith.constant 0 : i32
        %dma_wait3A_63 = tpu.memref_slice %arg9[%add3A_34, %dma_wait3A_62] : memref<40x128xi32, #tpu.memory_space<vmem>> -> memref<1x128xi32, #tpu.memory_space<vmem>>
        %dma_wait3A_64 = tpu.memref_squeeze %dma_wait3A_63 : memref<1x128xi32, #tpu.memory_space<vmem>> -> memref<128xi32, #tpu.memory_space<vmem>>
        %dma_wait3A_65 = arith.constant 0 : i32
        %dma_wait3A_66 = arith.constant 0 : i32
        %dma_wait3A_67 = tpu.memref_slice %arg12[%dma_wait3A_65, %dma_wait3A_66] : memref<10112x128xf32, #tpu.memory_space<vmem_shared>> -> memref<10112x128xf32, #tpu.memory_space<vmem_shared>>
        tpu.wait_indirect_dma semaphore(%run_scoped3A : memref<!tpu.dma_semaphore, #tpu.memory_space<semaphore_mem>>) src(%arg11 : memref<128x128xf32, #tpu.memory_space<vmem>>) dst(%dma_wait3A_67 : memref<10112x128xf32, #tpu.memory_space<vmem_shared>>)
        tpu.yield
      }) : () -> ()
    }
    %scan3A_20 = arith.constant 20 : i32
    %scan3A_21 = arith.constant 1 : i32
    %barrier3A_22 = arith.constant 0 : index
    tpu.barrier barrier_id(%barrier3A_22)
    %eq3A = arith.constant 0 : i32
    %eq3A_23 = arith.cmpi eq, %arg0, %eq3A : i32
    %convert_element_type3A = arith.extui %eq3A_23 : i1 to i32
    %cond3A = arith.constant 0 : i32
    %cond3A_24 = arith.cmpi ne, %convert_element_type3A, %cond3A : i32
    scf.if %cond3A_24 {
      "tpu.region"() ({
        %run_scoped3A = tpu.sem_alloc : memref<!tpu.dma_semaphore, #tpu.memory_space<semaphore_mem>>
        %dma_start3A_30 = arith.constant 0 : i32
        %dma_start3A_31 = tpu.memref_slice %arg6[%mul3A_4, %dma_start3A_30] : memref<10112x128xf32, #tpu.memory_space<hbm>> -> memref<632x128xf32, #tpu.memory_space<hbm>>
        %dma_start3A_32 = arith.constant 0 : i32
        %dma_start3A_33 = tpu.memref_slice %arg12[%mul3A_4, %dma_start3A_32] : memref<10112x128xf32, #tpu.memory_space<vmem_shared>> -> memref<632x128xf32, #tpu.memory_space<vmem_shared>>
        tpu.enqueue_dma source(%dma_start3A_33 : memref<632x128xf32, #tpu.memory_space<vmem_shared>>) target(%dma_start3A_31 : memref<632x128xf32, #tpu.memory_space<hbm>>) target_semaphore(%run_scoped3A : memref<!tpu.dma_semaphore, #tpu.memory_space<semaphore_mem>>)
        %dma_wait3A = arith.constant 0 : i32
        %dma_wait3A_34 = tpu.memref_slice %arg6[%mul3A_4, %dma_wait3A] : memref<10112x128xf32, #tpu.memory_space<hbm>> -> memref<632x128xf32, #tpu.memory_space<hbm>>
        %dma_wait3A_35 = arith.constant 0 : i32
        %dma_wait3A_36 = tpu.memref_slice %arg12[%mul3A_4, %dma_wait3A_35] : memref<10112x128xf32, #tpu.memory_space<vmem_shared>> -> memref<632x128xf32, #tpu.memory_space<vmem_shared>>
        tpu.wait_dma2 semaphore(%run_scoped3A : memref<!tpu.dma_semaphore, #tpu.memory_space<semaphore_mem>>) src(%dma_wait3A_36 : memref<632x128xf32, #tpu.memory_space<vmem_shared>>) dst(%dma_wait3A_34 : memref<632x128xf32, #tpu.memory_space<hbm>>)
        tpu.yield
      }) : () -> ()
    } else {
    }
    %eq3A_25 = arith.constant 1 : i32
    %eq3A_26 = arith.cmpi eq, %arg0, %eq3A_25 : i32
    %convert_element_type3A_27 = arith.extui %eq3A_26 : i1 to i32
    %cond3A_28 = arith.constant 0 : i32
    %cond3A_29 = arith.cmpi ne, %convert_element_type3A_27, %cond3A_28 : i32
    scf.if %cond3A_29 {
      "tpu.region"() ({
        %run_scoped3A = tpu.sem_alloc : memref<!tpu.dma_semaphore, #tpu.memory_space<semaphore_mem>>
        %dma_start3A_30 = arith.constant 0 : i32
        %dma_start3A_31 = tpu.memref_slice %arg7[%mul3A_4, %dma_start3A_30] : memref<10112x128xf32, #tpu.memory_space<hbm>> -> memref<632x128xf32, #tpu.memory_space<hbm>>
        %dma_start3A_32 = arith.constant 0 : i32
        %dma_start3A_33 = tpu.memref_slice %arg12[%mul3A_4, %dma_start3A_32] : memref<10112x128xf32, #tpu.memory_space<vmem_shared>> -> memref<632x128xf32, #tpu.memory_space<vmem_shared>>
        tpu.enqueue_dma source(%dma_start3A_33 : memref<632x128xf32, #tpu.memory_space<vmem_shared>>) target(%dma_start3A_31 : memref<632x128xf32, #tpu.memory_space<hbm>>) target_semaphore(%run_scoped3A : memref<!tpu.dma_semaphore, #tpu.memory_space<semaphore_mem>>)
        %dma_wait3A = arith.constant 0 : i32
        %dma_wait3A_34 = tpu.memref_slice %arg7[%mul3A_4, %dma_wait3A] : memref<10112x128xf32, #tpu.memory_space<hbm>> -> memref<632x128xf32, #tpu.memory_space<hbm>>
        %dma_wait3A_35 = arith.constant 0 : i32
        %dma_wait3A_36 = tpu.memref_slice %arg12[%mul3A_4, %dma_wait3A_35] : memref<10112x128xf32, #tpu.memory_space<vmem_shared>> -> memref<632x128xf32, #tpu.memory_space<vmem_shared>>
        tpu.wait_dma2 semaphore(%run_scoped3A : memref<!tpu.dma_semaphore, #tpu.memory_space<semaphore_mem>>) src(%dma_wait3A_36 : memref<632x128xf32, #tpu.memory_space<vmem_shared>>) dst(%dma_wait3A_34 : memref<632x128xf32, #tpu.memory_space<hbm>>)
        tpu.yield
      }) : () -> ()
    } else {
    }
    return
  }
}

module attributes {stable_mosaic.version = 14 : i64} {
  func.func @_mlp_body(%arg0: i32, %arg1: memref<1264x256xf32, #tpu.memory_space<vmem>>, %arg2: memref<1264x128xf32, #tpu.memory_space<vmem>>, %arg3: memref<1264x128xf32, #tpu.memory_space<vmem>>, %arg4: memref<1264x1xf32, #tpu.memory_space<vmem>>, %arg5: memref<1264x1xf32, #tpu.memory_space<vmem>>, %arg6: memref<256x256xf32, #tpu.memory_space<vmem>>, %arg7: memref<1x256xf32, #tpu.memory_space<vmem>>, %arg8: memref<256x256xf32, #tpu.memory_space<vmem>>, %arg9: memref<256x128xf32, #tpu.memory_space<vmem>>, %arg10: memref<1x128xf32, #tpu.memory_space<vmem>>, %arg11: memref<1264x128xf32, #tpu.memory_space<vmem>>) attributes {dimension_semantics = [#tpu.dimension_semantics<arbitrary>], iteration_bounds = array<i64: 8>, scalar_prefetch = 0 : i64, scratch_operands = 0 : i64, tpu.core_type = #tpu.core_type<tc>, window_params = [{transform_indices = @transform_0, window_bounds = array<i64: 1264, 256>}, {transform_indices = @transform_1, window_bounds = array<i64: 1264, 128>}, {transform_indices = @transform_2, window_bounds = array<i64: 1264, 128>}, {transform_indices = @transform_3, window_bounds = array<i64: 1264, 1>}, {transform_indices = @transform_4, window_bounds = array<i64: 1264, 1>}, {pipeline_mode = #tpu.pipeline_mode<synchronous>, transform_indices = @transform_5, window_bounds = array<i64: 256, 256>}, {pipeline_mode = #tpu.pipeline_mode<synchronous>, transform_indices = @transform_6, window_bounds = array<i64: 1, 256>}, {pipeline_mode = #tpu.pipeline_mode<synchronous>, transform_indices = @transform_7, window_bounds = array<i64: 256, 256>}, {pipeline_mode = #tpu.pipeline_mode<synchronous>, transform_indices = @transform_8, window_bounds = array<i64: 256, 128>}, {pipeline_mode = #tpu.pipeline_mode<synchronous>, transform_indices = @transform_9, window_bounds = array<i64: 1, 128>}, {transform_indices = @transform_10, window_bounds = array<i64: 1264, 128>}]} {
    %get3A = arith.constant 0 : index
    %get3A_0 = arith.constant 0 : index
    %get3A_1 = vector.load %arg4[%get3A, %get3A_0] : memref<1264x1xf32, #tpu.memory_space<vmem>>, vector<1264x1xf32>
    %get3A_2 = arith.constant 0 : index
    %get3A_3 = arith.constant 0 : index
    %get3A_4 = vector.load %arg5[%get3A_2, %get3A_3] : memref<1264x1xf32, #tpu.memory_space<vmem>>, vector<1264x1xf32>
    %add3A = arith.addf %get3A_1, %get3A_4 : vector<1264x1xf32>
    %max3A = arith.constant 1.000000e+00 : f32
    %max3A_5 = vector.broadcast %max3A : f32 to vector<1264x1xf32>
    %max3A_6 = arith.maximumf %add3A, %max3A_5 : vector<1264x1xf32>
    %div3A = arith.constant 1.000000e+00 : f32
    %div3A_7 = vector.broadcast %div3A : f32 to vector<1264x1xf32>
    %div3A_8 = arith.divf %div3A_7, %max3A_6 : vector<1264x1xf32>
    %get3A_9 = arith.constant 0 : index
    %get3A_10 = arith.constant 0 : index
    %get3A_11 = vector.load %arg2[%get3A_9, %get3A_10] : memref<1264x128xf32, #tpu.memory_space<vmem>>, vector<1264x128xf32>
    %mul3A = vector.broadcast %div3A_8 : vector<1264x1xf32> to vector<1264x128xf32>
    %mul3A_12 = arith.mulf %get3A_11, %mul3A : vector<1264x128xf32>
    %get3A_13 = arith.constant 0 : index
    %get3A_14 = arith.constant 0 : index
    %get3A_15 = vector.load %arg3[%get3A_13, %get3A_14] : memref<1264x128xf32, #tpu.memory_space<vmem>>, vector<1264x128xf32>
    %mul3A_16 = vector.broadcast %div3A_8 : vector<1264x1xf32> to vector<1264x128xf32>
    %mul3A_17 = arith.mulf %get3A_15, %mul3A_16 : vector<1264x128xf32>
    %get3A_18 = arith.constant 0 : index
    %get3A_19 = arith.constant 0 : index
    %get3A_20 = vector.load %arg6[%get3A_18, %get3A_19] : memref<256x256xf32, #tpu.memory_space<vmem>>, vector<256x256xf32>
    %slice3A = vector.extract_strided_slice %get3A_20 {offsets = [0, 0], sizes = [128, 256], strides = [1, 1]} : vector<256x256xf32> to vector<128x256xf32>
    %dot_general3A = arith.constant dense<0.000000e+00> : vector<1264x256xf32>
    %dot_general3A_21 = tpu.matmul %mul3A_12, %slice3A, %dot_general3A {dimension_numbers = #tpu.dot_dimension_numbers<[1], [0], [0], [1], [0, 0, 1, 1], [], []>, transpose_lhs_hint = false} : vector<1264x128xf32>, vector<128x256xf32>, vector<1264x256xf32> -> vector<1264x256xf32>
    %slice3A_22 = vector.extract_strided_slice %get3A_20 {offsets = [128, 0], sizes = [128, 256], strides = [1, 1]} : vector<256x256xf32> to vector<128x256xf32>
    %dot_general3A_23 = arith.constant dense<0.000000e+00> : vector<1264x256xf32>
    %dot_general3A_24 = tpu.matmul %mul3A_17, %slice3A_22, %dot_general3A_23 {dimension_numbers = #tpu.dot_dimension_numbers<[1], [0], [0], [1], [0, 0, 1, 1], [], []>, transpose_lhs_hint = false} : vector<1264x128xf32>, vector<128x256xf32>, vector<1264x256xf32> -> vector<1264x256xf32>
    %add3A_25 = arith.addf %dot_general3A_21, %dot_general3A_24 : vector<1264x256xf32>
    %get3A_26 = arith.constant 0 : index
    %get3A_27 = arith.constant 0 : index
    %get3A_28 = vector.load %arg1[%get3A_26, %get3A_27] : memref<1264x256xf32, #tpu.memory_space<vmem>>, vector<1264x256xf32>
    %get3A_29 = arith.constant 0 : index
    %get3A_30 = arith.constant 0 : index
    %get3A_31 = vector.load %arg8[%get3A_29, %get3A_30] : memref<256x256xf32, #tpu.memory_space<vmem>>, vector<256x256xf32>
    %dot_general3A_32 = arith.constant dense<0.000000e+00> : vector<1264x256xf32>
    %dot_general3A_33 = tpu.matmul %get3A_28, %get3A_31, %dot_general3A_32 {dimension_numbers = #tpu.dot_dimension_numbers<[1], [0], [0], [1], [0, 0, 1, 1], [], []>, transpose_lhs_hint = false} : vector<1264x256xf32>, vector<256x256xf32>, vector<1264x256xf32> -> vector<1264x256xf32>
    %add3A_34 = arith.addf %add3A_25, %dot_general3A_33 : vector<1264x256xf32>
    %get3A_35 = arith.constant 0 : index
    %get3A_36 = arith.constant 0 : index
    %get3A_37 = vector.load %arg7[%get3A_35, %get3A_36] : memref<1x256xf32, #tpu.memory_space<vmem>>, vector<1x256xf32>
    %add3A_38 = vector.broadcast %get3A_37 : vector<1x256xf32> to vector<1264x256xf32>
    %add3A_39 = arith.addf %add3A_34, %add3A_38 : vector<1264x256xf32>
    %max3A_40 = arith.constant 0.000000e+00 : f32
    %max3A_41 = vector.broadcast %max3A_40 : f32 to vector<1264x256xf32>
    %max3A_42 = arith.maximumf %add3A_39, %max3A_41 : vector<1264x256xf32>
    %get3A_43 = arith.constant 0 : index
    %get3A_44 = arith.constant 0 : index
    %get3A_45 = vector.load %arg9[%get3A_43, %get3A_44] : memref<256x128xf32, #tpu.memory_space<vmem>>, vector<256x128xf32>
    %dot_general3A_46 = arith.constant dense<0.000000e+00> : vector<1264x128xf32>
    %dot_general3A_47 = tpu.matmul %max3A_42, %get3A_45, %dot_general3A_46 {dimension_numbers = #tpu.dot_dimension_numbers<[1], [0], [0], [1], [0, 0, 1, 1], [], []>, transpose_lhs_hint = false} : vector<1264x256xf32>, vector<256x128xf32>, vector<1264x128xf32> -> vector<1264x128xf32>
    %get3A_48 = arith.constant 0 : index
    %get3A_49 = arith.constant 0 : index
    %get3A_50 = vector.load %arg10[%get3A_48, %get3A_49] : memref<1x128xf32, #tpu.memory_space<vmem>>, vector<1x128xf32>
    %add3A_51 = vector.broadcast %get3A_50 : vector<1x128xf32> to vector<1264x128xf32>
    %add3A_52 = arith.addf %dot_general3A_47, %add3A_51 : vector<1264x128xf32>
    %swap3A = arith.constant 0 : index
    %swap3A_53 = arith.constant 0 : index
    %swap3A_54 = vector.load %arg11[%swap3A, %swap3A_53] : memref<1264x128xf32, #tpu.memory_space<vmem>>, vector<1264x128xf32>
    tpu.vector_store %arg11[%swap3A, %swap3A_53], %add3A_52 {strides = array<i32>} : memref<1264x128xf32, #tpu.memory_space<vmem>>, vector<1264x128xf32>,
    return
  }
  func.func @transform_0(%arg0: i32) -> (i32, i32) {
    %c0_i32 = arith.constant 0 : i32
    %c0_i32_0 = arith.constant 0 : i32
    return %arg0, %c0_i32 : i32, i32
  }
  func.func @transform_1(%arg0: i32) -> (i32, i32) {
    %c0_i32 = arith.constant 0 : i32
    %c0_i32_0 = arith.constant 0 : i32
    return %arg0, %c0_i32 : i32, i32
  }
  func.func @transform_2(%arg0: i32) -> (i32, i32) {
    %c0_i32 = arith.constant 0 : i32
    %c0_i32_0 = arith.constant 0 : i32
    return %arg0, %c0_i32 : i32, i32
  }
  func.func @transform_3(%arg0: i32) -> (i32, i32) {
    %c0_i32 = arith.constant 0 : i32
    %c0_i32_0 = arith.constant 0 : i32
    return %arg0, %c0_i32 : i32, i32
  }
  func.func @transform_4(%arg0: i32) -> (i32, i32) {
    %c0_i32 = arith.constant 0 : i32
    %c0_i32_0 = arith.constant 0 : i32
    return %arg0, %c0_i32 : i32, i32
  }
  func.func @transform_5(%arg0: i32) -> (i32, i32) {
    %c0_i32 = arith.constant 0 : i32
    %c0_i32_0 = arith.constant 0 : i32
    %c0_i32_1 = arith.constant 0 : i32
    return %c0_i32, %c0_i32_0 : i32, i32
  }
  func.func @transform_6(%arg0: i32) -> (i32, i32) {
    %c0_i32 = arith.constant 0 : i32
    %c0_i32_0 = arith.constant 0 : i32
    %c0_i32_1 = arith.constant 0 : i32
    return %c0_i32, %c0_i32_0 : i32, i32
  }
  func.func @transform_7(%arg0: i32) -> (i32, i32) {
    %c0_i32 = arith.constant 0 : i32
    %c0_i32_0 = arith.constant 0 : i32
    %c0_i32_1 = arith.constant 0 : i32
    return %c0_i32, %c0_i32_0 : i32, i32
  }
  func.func @transform_8(%arg0: i32) -> (i32, i32) {
    %c0_i32 = arith.constant 0 : i32
    %c0_i32_0 = arith.constant 0 : i32
    %c0_i32_1 = arith.constant 0 : i32
    return %c0_i32, %c0_i32_0 : i32, i32
  }
  func.func @transform_9(%arg0: i32) -> (i32, i32) {
    %c0_i32 = arith.constant 0 : i32
    %c0_i32_0 = arith.constant 0 : i32
    %c0_i32_1 = arith.constant 0 : i32
    return %c0_i32, %c0_i32_0 : i32, i32
  }
  func.func @transform_10(%arg0: i32) -> (i32, i32) {
    %c0_i32 = arith.constant 0 : i32
    %c0_i32_0 = arith.constant 0 : i32
    return %arg0, %c0_i32 : i32, i32
  }
}

module attributes {stable_mosaic.version = 14 : i64} {
  func.func @_out_body(%arg0: i32, %arg1: memref<2000x128xf32, #tpu.memory_space<vmem>>, %arg2: memref<2000x128xf32, #tpu.memory_space<vmem>>, %arg3: memref<2000x1xf32, #tpu.memory_space<vmem>>, %arg4: memref<2000x1xf32, #tpu.memory_space<vmem>>, %arg5: memref<2000x128xf32, #tpu.memory_space<vmem>>, %arg6: memref<2000x40xf32, #tpu.memory_space<vmem>>) attributes {dimension_semantics = [#tpu.dimension_semantics<arbitrary>], iteration_bounds = array<i64: 5>, scalar_prefetch = 0 : i64, scratch_operands = 0 : i64, tpu.core_type = #tpu.core_type<tc>, window_params = [{transform_indices = @transform_0, window_bounds = array<i64: 2000, 128>}, {transform_indices = @transform_1, window_bounds = array<i64: 2000, 128>}, {transform_indices = @transform_2, window_bounds = array<i64: 2000, 1>}, {transform_indices = @transform_3, window_bounds = array<i64: 2000, 1>}, {transform_indices = @transform_4, window_bounds = array<i64: 2000, 128>}, {transform_indices = @transform_5, window_bounds = array<i64: 2000, 40>}]} {
    %get3A = arith.constant 0 : index
    %get3A_0 = arith.constant 0 : index
    %get3A_1 = vector.load %arg3[%get3A, %get3A_0] : memref<2000x1xf32, #tpu.memory_space<vmem>>, vector<2000x1xf32>
    %get3A_2 = arith.constant 0 : index
    %get3A_3 = arith.constant 0 : index
    %get3A_4 = vector.load %arg4[%get3A_2, %get3A_3] : memref<2000x1xf32, #tpu.memory_space<vmem>>, vector<2000x1xf32>
    %add3A = arith.addf %get3A_1, %get3A_4 : vector<2000x1xf32>
    %max3A = arith.constant 1.000000e+00 : f32
    %max3A_5 = vector.broadcast %max3A : f32 to vector<2000x1xf32>
    %max3A_6 = arith.maximumf %add3A, %max3A_5 : vector<2000x1xf32>
    %div3A = arith.constant 1.000000e+00 : f32
    %div3A_7 = vector.broadcast %div3A : f32 to vector<2000x1xf32>
    %div3A_8 = arith.divf %div3A_7, %max3A_6 : vector<2000x1xf32>
    %get3A_9 = arith.constant 0 : index
    %get3A_10 = arith.constant 0 : index
    %get3A_11 = vector.load %arg1[%get3A_9, %get3A_10] : memref<2000x128xf32, #tpu.memory_space<vmem>>, vector<2000x128xf32>
    %get3A_12 = arith.constant 0 : index
    %get3A_13 = arith.constant 0 : index
    %get3A_14 = vector.load %arg2[%get3A_12, %get3A_13] : memref<2000x128xf32, #tpu.memory_space<vmem>>, vector<2000x128xf32>
    %add3A_15 = arith.addf %get3A_11, %get3A_14 : vector<2000x128xf32>
    %mul3A = vector.broadcast %div3A_8 : vector<2000x1xf32> to vector<2000x128xf32>
    %mul3A_16 = arith.mulf %add3A_15, %mul3A : vector<2000x128xf32>
    %slice3A = vector.extract_strided_slice %mul3A_16 {offsets = [0, 0], sizes = [2000, 40], strides = [1, 1]} : vector<2000x128xf32> to vector<2000x40xf32>
    %get3A_17 = arith.constant 0 : index
    %get3A_18 = arith.constant 40 : index
    %get3A_19 = vector.load %arg5[%get3A_17, %get3A_18] : memref<2000x128xf32, #tpu.memory_space<vmem>>, vector<2000x40xf32>
    %add3A_20 = arith.addf %slice3A, %get3A_19 : vector<2000x40xf32>
    %reduce_max3A = arith.constant dense<0xFF800000> : vector<2000xf32>
    %reduce_max3A_21 = vector.multi_reduction <maximumf>, %add3A_20, %reduce_max3A [1] : vector<2000x40xf32> to vector<2000xf32>
    %broadcast_in_dim3A = vector.shape_cast %reduce_max3A_21 : vector<2000xf32> to vector<2000x1xf32>
    %sub3A = vector.broadcast %broadcast_in_dim3A : vector<2000x1xf32> to vector<2000x40xf32>
    %sub3A_22 = arith.subf %add3A_20, %sub3A : vector<2000x40xf32>
    %exp3A = math.exp %sub3A_22 : vector<2000x40xf32>
    %reduce_sum3A = arith.constant dense<0.000000e+00> : vector<2000xf32>
    %reduce_sum3A_23 = vector.multi_reduction <add>, %exp3A, %reduce_sum3A [1] : vector<2000x40xf32> to vector<2000xf32>
    %broadcast_in_dim3A_24 = vector.shape_cast %reduce_sum3A_23 : vector<2000xf32> to vector<2000x1xf32>
    %log3A = math.log %broadcast_in_dim3A_24 : vector<2000x1xf32>
    %add3A_25 = arith.addf %log3A, %broadcast_in_dim3A : vector<2000x1xf32>
    %sub3A_26 = vector.broadcast %add3A_25 : vector<2000x1xf32> to vector<2000x40xf32>
    %sub3A_27 = arith.subf %add3A_20, %sub3A_26 : vector<2000x40xf32>
    %swap3A = arith.constant 0 : index
    %swap3A_28 = arith.constant 0 : index
    %swap3A_29 = vector.load %arg6[%swap3A, %swap3A_28] : memref<2000x40xf32, #tpu.memory_space<vmem>>, vector<2000x40xf32>
    tpu.vector_store %arg6[%swap3A, %swap3A_28], %sub3A_27 {strides = array<i32>} : memref<2000x40xf32, #tpu.memory_space<vmem>>, vector<2000x40xf32>,
    return
  }
  func.func @transform_0(%arg0: i32) -> (i32, i32) {
    %c0_i32 = arith.constant 0 : i32
    %c0_i32_0 = arith.constant 0 : i32
    return %arg0, %c0_i32 : i32, i32
  }
  func.func @transform_1(%arg0: i32) -> (i32, i32) {
    %c0_i32 = arith.constant 0 : i32
    %c0_i32_0 = arith.constant 0 : i32
    return %arg0, %c0_i32 : i32, i32
  }
  func.func @transform_2(%arg0: i32) -> (i32, i32) {
    %c0_i32 = arith.constant 0 : i32
    %c0_i32_0 = arith.constant 0 : i32
    return %arg0, %c0_i32 : i32, i32
  }
  func.func @transform_3(%arg0: i32) -> (i32, i32) {
    %c0_i32 = arith.constant 0 : i32
    %c0_i32_0 = arith.constant 0 : i32
    return %arg0, %c0_i32 : i32, i32
  }
  func.func @transform_4(%arg0: i32) -> (i32, i32) {
    %c0_i32 = arith.constant 0 : i32
    %c0_i32_0 = arith.constant 0 : i32
    return %arg0, %c0_i32 : i32, i32
  }
  func.func @transform_5(%arg0: i32) -> (i32, i32) {
    %c0_i32 = arith.constant 0 : i32
    %c0_i32_0 = arith.constant 0 : i32
    return %arg0, %c0_i32 : i32, i32
  }
}

</mosaic_0001>

<sc_bundles>
// kernel: kernel.10.cloned.1.call-start
scs
__scs_entry_jumppad:
0x0: {  	(pc) =	sbr.rel $0x88, $3  }
0x1: {  	(tag) =	ssettag $0x0;
	lr =	simm.s32 $0x1  }
0x2: {  	[smem:$0x3F99] =	sst lr;
	_ =	strace $0xD0000000  }
0x3: {  	_ = 	snop  }
0x4: {  	_ = 	snop  }
0x5: {  	_ = 	snop  }
0x6: {  	_ = 	snop  }
0x7: {  	_ = 	snop  }
__scs_overlays_trampoline_lowered:
0x8: {  	[smem:$0x3FA8] =	sst s0  }
0x9: {  	[smem:$0x3FA9] =	sst s1  }
0xa: {  	[smem:$0x3FAA] =	sst s2  }
0xb: {  	[smem:$0x3FAB] =	sst s3  }
0xc: {  	[smem:$0x3FAC] =	sst s4  }
0xd: {  	[smem:$0x3FAD] =	sst s5  }
0xe: {  	[smem:$0x3FAE] =	sst s6  }
0xf: {  	[smem:$0x3FAF] =	sst s7  }
0x10: {  	[smem:$0x3FB0] =	sst s8  }
0x11: {  	[smem:$0x3FB1] =	sst s9;
	s0 =	simm.s32 @!p0 $0x0  }
0x12: {  	s1 =	sld [smem:$0x3F97];
	s0 =	simm.s32 @p0 $0x1  }
0x13: {  	[smem:$0x3FB2] =	sst s0;
	s0 =	simm.s32 @!p1 $0x0  }
0x14: {  	s2 =	sld [smem:$0x3F96];
	s0 =	simm.s32 @p1 $0x1  }
0x15: {  	[smem:$0x3FB3] =	sst s0;
	s0 =	simm.s32 @!p2 $0x0  }
0x16: {  	s3 =	sld [smem:$0x3FDB];
	s0 =	simm.s32 @p2 $0x1  }
0x17: {  	s4 =	simm.s32 $0x1BF5;
	[smem:$0x3FB5] =	sst s0  }
0x18: {  	s0 =	sld [smem:$0x3F98];
	_ =	swait.ge [sflag:s4], $0x0  }
0x19: {  	s7 =	sld [smem:$0x3F99]  }
0x1a: {  	s8 =	sadd.s32 $0xFFFFE003, lr  }
0x1b: {  	s9 =	sadd.s32 $0xFFFFFEF7, lr;
	s5 =	simm.s32 $0xFFFFFFFF;
	p2 =	slt.u32 s8, $0xFFFFF086  }
0x1c: {  	p1 =	slt.u32 s9, $0xF7A;
	s5 =	simm.s32 @!p2 $0x0  }
0x1d: {  	s5 =	simm.s32 @p1 $0x1;
	p0 =	seq.s32 s7, s2  }
0x1e: {  	s7 =	smul.u32 @!p0 $0xF7A, s2;
	p2 =	seq.s32 @!p0 s5, $0x0  }
0x1f: {  	s9 =	smul.u32 $0xF7A, s1;
	s8 =	simm.s32 @!p0 $0x1BF5;
	p2 =	por !p2, p0  }
0x20: {  	[sflag:s8] =	ssyncset.s32 @!p0 $0xFFFFF086;
	s6 =	sadd.s32 @!p0 s3, s7;
	s7 =	simm.s32 @!p0 $0x108  }
0x21: {  	s3 =	sadd.s32 s3, s9;
	s6 =	sadd.s32 @!p0 $0x88, s6;
	s7 =	simm.s32 @p2 $0x1082  }
0x22: {  	[simem:s7], [sflag:s8] =	dma.local @!p0 [hbm:s6], $0xF7A  }
0x23: {  	s9 =	sor.u32 $0xD0000000, s2;
	s6 =	simm.s32 $0x108;
	_ =	swait.ge @!p0 [sflag:s8], $0x0  }
0x24: {  	s3 =	sadd.s32 $0x88, s3;
	s6 =	simm.s32 @!p1 $0x1082;
	[sflag:s4] =	ssyncset.s32 $0xFFFFF086  }
0x25: {  	[simem:s6], [sflag:s4] =	dma.local [hbm:s3], $0xF7A  }
0x26: {  	[smem:$0x3F99] =	sst s1;
	(tag) =	ssettag s2;
	_ =	strace s9  }
0x27: {  	s1 =	sld [smem:$0x3FA9]  }
0x28: {  	s2 =	sld [smem:$0x3FAA]  }
0x29: {  	s4 =	sld [smem:$0x3FAC]  }
0x2a: {  	p0 =	seq.s32 s5, $0x0;
	s5 =	sld [smem:$0x3FAD]  }
0x2b: {  	s6 =	sld [smem:$0x3FAE]  }
0x2c: {  	s7 =	sld [smem:$0x3FAF]  }
0x2d: {  	s3 =	simm.s32 $0x108;
	s8 =	sld [smem:$0x3FB0]  }
0x2e: {  	s3 =	simm.s32 @!p0 $0x1082;
	s9 =	sld [smem:$0x3FB1]  }
0x2f: {  	lr =	sadd.s32 s0, s3;
	s0 =	sld [smem:$0x3FA8]  }
0x30: {  	s3 =	sld [smem:$0x3FAB]  }
0x31: {  	[smem:$0x3FB4] =	sst s10  }
0x32: {  	s10 =	sld [smem:$0x3FB2];
	_ =	sdelay $0x3  }
0x33: {  	p0 =	seq.s32 s10, $0x1;
	s10 =	sld [smem:$0x3FB4];
	_ =	sdelay $0x3  }
0x34: {  	[smem:$0x3FB4] =	sst s10  }
0x35: {  	s10 =	sld [smem:$0x3FB3];
	_ =	sdelay $0x3  }
0x36: {  	p1 =	seq.s32 s10, $0x1;
	s10 =	sld [smem:$0x3FB4];
	_ =	sdelay $0x3  }
0x37: {  	[smem:$0x3FB4] =	sst s10  }
0x38: {  	s10 =	sld [smem:$0x3FB5]  }
0x39: {  	_ = 	snop;
	(pc) =	sbr.ind lr, $3  }
0x3a: {  	_ = 	snop  }
0x3b: {  	_ = 	snop  }
0x3c: {  	p2 =	seq.s32 s10, $0x1;
	s10 =	sld [smem:$0x3FB4]  }
0x3d: {  	_ =	shalt  }
0x3e: {  	_ =	shalt  }
0x3f: {  	_ =	shalt  }
0x40: {  	_ =	shalt  }
0x41: {  	_ =	shalt  }
0x42: {  	_ =	shalt  }
0x43: {  	_ =	shalt  }
0x44: {  	_ =	shalt  }
0x45: {  	_ =	shalt  }
0x46: {  	_ =	shalt  }
0x47: {  	_ =	shalt  }
0x48: {  	_ =	shalt  }
0x49: {  	_ =	shalt  }
0x4a: {  	_ =	shalt  }
0x4b: {  	_ =	shalt  }
0x4c: {  	_ =	shalt  }
0x4d: {  	_ =	shalt  }
0x4e: {  	_ =	shalt  }
0x4f: {  	_ =	shalt  }
0x50: {  	_ =	shalt  }
0x51: {  	_ =	shalt  }
0x52: {  	_ =	shalt  }
0x53: {  	_ =	shalt  }
0x54: {  	_ =	shalt  }
0x55: {  	_ =	shalt  }
0x56: {  	_ =	shalt  }
0x57: {  	_ =	shalt  }
0x58: {  	_ =	shalt  }
0x59: {  	_ =	shalt  }
0x5a: {  	_ =	shalt  }
0x5b: {  	_ =	shalt  }
0x5c: {  	_ =	shalt  }
0x5d: {  	_ =	shalt  }
0x5e: {  	_ =	shalt  }
0x5f: {  	_ =	shalt  }
0x60: {  	_ =	shalt  }
0x61: {  	_ =	shalt  }
0x62: {  	_ =	shalt  }
0x63: {  	_ =	shalt  }
0x64: {  	_ =	shalt  }
0x65: {  	_ =	shalt  }
0x66: {  	_ =	shalt  }
0x67: {  	_ =	shalt  }
0x68: {  	_ =	shalt  }
0x69: {  	_ =	shalt  }
0x6a: {  	_ =	shalt  }
0x6b: {  	_ =	shalt  }
0x6c: {  	_ =	shalt  }
0x6d: {  	_ =	shalt  }
0x6e: {  	_ =	shalt  }
0x6f: {  	_ =	shalt  }
0x70: {  	_ =	shalt  }
0x71: {  	_ =	shalt  }
0x72: {  	_ =	shalt  }
0x73: {  	_ =	shalt  }
0x74: {  	_ =	shalt  }
0x75: {  	_ =	shalt  }
0x76: {  	_ =	shalt  }
0x77: {  	_ =	shalt  }
0x78: {  	_ =	shalt  }
0x79: {  	_ =	shalt  }
0x7a: {  	_ =	shalt  }
0x7b: {  	_ =	shalt  }
0x7c: {  	_ =	shalt  }
0x7d: {  	_ =	shalt  }
0x7e: {  	_ =	shalt  }
0x7f: {  	_ =	shalt  }
0x80: {  	_ =	shalt  }
0x81: {  	_ =	shalt  }
0x82: {  	_ =	shalt  }
0x83: {  	_ =	shalt  }
0x84: {  	_ =	shalt  }
0x85: {  	_ =	shalt  }
0x86: {  	_ =	shalt  }
0x87: {  	_ =	shalt  }
.Lfunc_end0:
.L_simem_size_0:
called_computation.1_lowered:
.L_overlay_start_0:
0x88: {  	s2 =	sld [smem:$0x3FD9]  }
0x89: {  	s3 =	sld [smem:$0x3FFE];
	_ =	sdelay $0x1  }
0x8a: {  	s1 =	srdreg.scid  }
0x8b: {  	s0 =	sand.u32 $0x1, s1  }
0x8c: {  	s17 =	sshll.u32 s0, $0xA;
	s2 =	sadd.s32 s3, s2  }
0x8d: {  	s2 =	sadd.s32 s2, s17  }
0x8e: {  	[smem:$0x3FC0] =	sst s2  }
0x8f: {  	_ = 	snop  }
0x90: {  	s18 =	sld [smem:$0x3FD0];
	(tm) =	ssettm $0x1  }
0x91: {  	s19 =	sld [smem:$0x3FFB];
	_ =	sdelay $0x3  }
0x92: {  	_ =	strace s19  }
0x93: {  	s2 =	sld [smem:$0x3FFC];
	_ =	sdelay $0x3  }
0x94: {  	_ =	strace s2  }
0x95: {  	s2 =	sld [smem:$0x3FFD];
	_ =	sdelay $0x3  }
0x96: {  	_ =	strace s2  }
0x97: {  	_ =	strace $0x8FFFFFFF  }
0x98: {  	s20 =	sld [smem:$0x3FDB];
	_ =	sdelay $0x1  }
0x99: {  	s4 =	simm.s32 $_scs_section_size  }
0x9a: {  	s5 =	simm.s32 $_size__tile_overlayer_lowered;
	s6 =	simm.s32 $_tile_overlayer_lowered  }
0x9b: {  	s7 =	simm.s32 $0x1BFF;
	s21 =	sshll.u32 s6, $0x1;
	s4 =	sadd.s32 s4, s20  }
0x9c: {  	s22 =	simm.s32 $0x0;
	s5 =	sshll.u32 s5, $0x1;
	s6 =	sadd.s32 s21, s4  }
0x9d: {  	[timem:s22], [sflag:s7] =	dma.local [hbm:s6], s5  }
0x9e: {  	_ =	swait.ge [sflag:s7], s5  }
0x9f: {  	s5 =	ssub.s32 $0x0, s5;
	[sflag:s7] =	ssyncset.done $0x0  }
0xa0: {  	[sflag:s7] =	ssyncadd.s32 s5;
	_ =	sdelay $0x1  }
0xa1: {  	s23 =	simm.s32 $0x1B8B  }
0xa2: {  	_ =	swait.ge [sflag:s23], $0x1  }
0xa3: {  	[sflag:s23] =	ssyncset.done $0x0  }
0xa4: {  	[sflag:s23] =	ssyncadd.s32 $0xFFFFFFFF  }
0xa5: {  	s5 =	sld [smem:$0x0]  }
0xa6: {  	s6 =	sand.u32 $0xFFFFFFFE, s1  }
0xa7: {  	p0 =	sne.s32 s1, s6  }
0xa8: {  	s6 =	sshll.u32 @p0 s6, $0xE  }
0xa9: {  	s6 =	sadd.s32 @p0 $0x11B8D, s6;
	s7 =	sshll.u32 @p0 s5, $0x11  }
0xaa: {  	s6 =	sor.u32 @p0 s7, s6  }
0xab: {  	[sflag:s6] =	ssyncadd.remote.s32 @p0 $0x1;
	_ =	sdelay $0x1  }
0xac: {  	s6 =	simm.s32 @p0 $0x1B8D  }
0xad: {  	_ =	swait.eq @p0 [sflag:s6], $0x1  }
0xae: {  	[sflag:s6] =	ssyncadd.s32 @p0 $0xFFFFFFFF  }
0xaf: {  	s7 =	sshll.u32 @!p0 s1, $0xE  }
0xb0: {  	s7 =	sor.u32 @!p0 $0x4000, s7;
	s6 =	simm.s32 @!p0 $0x1B8D  }
0xb1: {  	s5 =	sshll.u32 @!p0 s5, $0x11;
	s7 =	sadd.s32 @!p0 $0x11B8D, s7;
	_ =	swait.eq @!p0 [sflag:s6], $0x1  }
0xb2: {  	s5 =	sor.u32 @!p0 s5, s7;
	[sflag:s6] =	ssyncadd.s32 @!p0 $0xFFFFFFFF  }
0xb3: {  	s25 =	simm.s32 $0x1B8E;
	s24 =	sld [smem:$0x3FFE];
	[sflag:s5] =	ssyncadd.remote.s32 @!p0 $0x1  }
0xb4: {  	s26 =	simm.s32 $execute0_lowered;
	[smem:$0x3FD2] =	sst s25  }
0xb5: {  	s6 =	sshll.u32 s26, $0x1;
	_ =	strace $0x80000049;
	[dreg:$0x1] =	wrdreg $0xFFFFFFFF  }
0xb6: {  	s28 =	simm.s32 $_size_execute0_lowered;
	s4 =	sadd.s32 s4, s6;
	[dreg:$0x0] =	wrdreg $0x0  }
0xb7: {  	s6 =	sshll.u32 s28, $0x1;
	[dreg:$0x2] =	wrdreg s4  }
0xb8: {  	[dreg:$0x3] =	wrdreg s6  }
0xb9: {  	[dreg:$0x4] =	wrdreg $0xC0  }
0xba: {  	_ =	task [dreg:s22], $0x5FFFF  }
0xbb: {  	[dreg:$0x1] =	wrdreg $0xFFFFFFFF  }
0xbc: {  	[dreg:$0x0] =	wrdreg $0x60  }
0xbd: {  	[dreg:$0x2] =	wrdreg s24  }
0xbe: {  	[dreg:$0x3] =	wrdreg s18  }
0xbf: {  	[dreg:$0x4] =	wrdreg $0xA8000  }
0xc0: {  	[dreg:$0x5] =	wrdreg $0xA  }
0xc1: {  	_ =	task.clear_ibuf [dreg:s22], $0x6FFFF;
	_ =	strace $0x90000049  }
0xc2: {  	s29 =	simm.s32 $0xA;
	_ =	strace $0x8000004B  }
0xc3: {  	_ =	swait.ge [sflag:s29], $0x1  }
0xc4: {  	[sflag:s29] =	ssyncadd.s32 $0xFFFFFFFF  }
0xc5: {  	_ =	strace $0x9000004B  }
0xc6: {  	_ =	sfence  }
0xc7: {  	s30 =	sld [smem:$0x0];
	_ =	sdelay $0x2  }
0xc8: {  	s31 =	sshll.u32 s1, $0xD;
	s1 =	sshrl.u32 s1, $0x2  }
0xc9: {  	s4 =	sand.u32 $0x4000, s31;
	s1 =	sadd.s32 s1, s30  }
0xca: {  	s0 =	sor.u32 s4, s0;
	s1 =	sshll.u32 s1, $0x11  }
0xcb: {  	s0 =	sor.u32 s1, s0  }
0xcc: {  	s0 =	sadd.s32 $0x8F2B, s0  }
0xcd: {  	[sflag:s0] =	ssyncadd.remote.s32 $0x1  }
0xce: {  	_ =	sfence.sel $0xFFFF  }
0xcf: {  	[dreg:$0x0] =	wrdreg $0xFFFFFFFF;
	(pc) =	sbr.abs _section_cstart, $3  }
0xd0: {  	[dreg:$0x1] =	wrdreg $0xFFFFFFFF  }
0xd1: {  	_ =	task.clear_ibuf [dreg:s22], $0x2FFFF;
	_ =	strace $0x9FFFFFFF  }
0xd2: {  	(tm) =	ssettm $0x7FFFFFFF  }
0xd3: {  	_ =	shalt  }
tec
execute0_lowered:
.L_overlay_start_1:
0x0: {  	(tag) =	ssettag $0x1  }
0x1: {  	s8 =	rddreg [dreg:$0x0]  }
0x2: {  	s14 =	rddreg [dreg:$0x1]  }
0x3: {  	s1 =	rddreg [dreg:$0x2];
	s2 =	simm.s32 $0x0;
	s3 =	srdreg.scid  }
0x4: {  	s19 =	simm.s32 $0x80;
	s20 =	simm.s32 $0x2800;
	s21 =	simm.s32 $0x6800  }
0x5: {  	s22 =	simm.s32 $0x1;
	s23 =	simm.s32 $0x2;
	s24 =	simm.s32 $0x1380  }
0x6: {  	s25 =	simm.s32 $0x2700;
	s26 =	simm.s32 $0x2780;
	[smem:$0x7FF] =	sst s2  }
0x7: {  	s4 =	sadd.s32 $0x30200, s8;
	s5 =	sadd.s32 $0x9000, s8;
	s16 =	sand.u32 $0x1, s3  }
0x8: {  	s15 =	sadd.s32 $0x2E00, s8;
	s3 =	stileid.u32;
	s6 =	sadd.s32 $0x57400, s8  }
0x9: {  	s7 =	sadd.s32 $0x59C00, s8;
	s8 =	sadd.s32 $0x81400, s8;
	_ =	strace $0x8000004A  }
0xa: {  	s9 =	ssub.s32 $0x2, s16;
	s11 =	smul.u32 $0x4F000, s3;
	s31 =	sshll.u32 s3, $0x6  }
0xb: {  	s13 =	smul.u32 $0x500, s3;
	p0 =	sne.s32 s16, $0x0;
	s10 =	sshrl.u32 s9, $0x1  }
.Ltmp0:
0xc: {  	s12 =	ssub.s32 s9, s10;
	s30 =	sshrl.u32 s11, $0x2;
	(pc) =	sbr.rel .LBB2_1-.Ltmp0, $4  }
0xd: {  	s9 =	sor.u32 $0x1C03, s31;
	s10 =	smul.u32 $0x2780, s3;
	s18 =	sadd.s32 $0x280, s13  }
0xe: {  	s17 =	sadd.s32 s30, s1;
	s11 =	smax.u32 s12, $0x1;
	s12 =	sadd.s32 s14, s13  }
0xf: {  	s13 =	sadd.s32 s15, s13;
	s14 =	sadd.s32 s14, s18;
	s15 =	sadd.s32 s15, s18  }
0x10: {  	s18 =	simm.s32 $0x1400;
	s16 =	sshrl.u32 s17, $0x3;
	s17 =	simm.s32 $0x3  }
.LBB2_11:
0x11: {  	s0 =	sadd.s32 $0x80, s28;
	[sflag:s17] =	ssyncadd.s32 $0xFFFFC000  }
0x12: {  	[tilespmem:s21], [sflag:$0x2] =	stream.indirect.gather [hbm4b:s5+s19], $0x80, s0, s19, $0xb8;
	[tilespmem:$0x1E400] =	vst v63  }
0x13: {  	_ =	swait.ge [sflag:s22], $0x4000  }
0x14: {  	[sflag:s22] =	ssyncset.done $0x0  }
0x15: {  	s29 =	sadd.s32 $0x1400, s28;
	[sflag:s22] =	ssyncadd.s32 $0xFFFFC000  }
0x16: {  	[spmem:s1] =	stream.indirect.scatter.add.f32 [tilespmem:s20], [sflag:$0x3], $0x80, s29, s19, $0xb8;
	[tilespmem:$0x1E400] =	vst v63  }
0x17: {  	_ =	swait.ge [sflag:s17], $0x4000  }
0x18: {  	[sflag:s17] =	ssyncset.done $0x0  }
0x19: {  	s30 =	sadd.s32 $0x100, s28;
	[sflag:s17] =	ssyncadd.s32 $0xFFFFC000  }
0x1a: {  	[tilespmem:s20], [sflag:$0x1] =	stream.indirect.gather [hbm4b:s5+s19], $0x80, s30, s19, $0xb8;
	[tilespmem:$0x1E400] =	vst v63  }
0x1b: {  	_ =	swait.ge [sflag:s23], $0x4000  }
0x1c: {  	[sflag:s23] =	ssyncset.done $0x0  }
0x1d: {  	s31 =	sadd.s32 $0x1480, s28;
	[sflag:s23] =	ssyncadd.s32 $0xFFFFC000  }
0x1e: {  	[spmem:s1] =	stream.indirect.scatter.add.f32 [tilespmem:s21], [sflag:$0x3], $0x80, s31, s19, $0xb8;
	[tilespmem:$0x1E400] =	vst v63  }
0x1f: {  	_ =	swait.ge [sflag:s17], $0x4000  }
0x20: {  	[sflag:s17] =	ssyncset.done $0x0  }
0x21: {  	[sflag:s17] =	ssyncadd.s32 $0xFFFFC000  }
0x22: {  	[tilespmem:s21], [sflag:$0x2] =	stream.indirect.gather [hbm4b:s5+s19], $0x80, s24, s19, $0xb8;
	[tilespmem:$0x1E400] =	vst v63  }
0x23: {  	_ =	swait.ge [sflag:s22], $0x4000  }
0x24: {  	[sflag:s22] =	ssyncset.done $0x0  }
0x25: {  	[sflag:s22] =	ssyncadd.s32 $0xFFFFC000  }
0x26: {  	[spmem:s1] =	stream.indirect.scatter.add.f32 [tilespmem:s20], [sflag:$0x3], $0x80, s25, s19, $0xb8;
	[tilespmem:$0x1E400] =	vst v63  }
0x27: {  	_ =	swait.ge [sflag:s17], $0x4000  }
0x28: {  	[sflag:s17] =	ssyncset.done $0x0  }
0x29: {  	[sflag:s17] =	ssyncadd.s32 $0xFFFFC000  }
0x2a: {  	_ =	swait.ge [sflag:s23], $0x4000  }
0x2b: {  	[sflag:s23] =	ssyncset.done $0x0  }
0x2c: {  	[sflag:s23] =	ssyncadd.s32 $0xFFFFC000  }
0x2d: {  	[spmem:s1] =	stream.indirect.scatter.add.f32 [tilespmem:s21], [sflag:$0x3], $0x80, s26, s19, $0xb8;
	[tilespmem:$0x1E400] =	vst v63  }
0x2e: {  	_ =	swait.ge [sflag:s17], $0x4000  }
0x2f: {  	[sflag:s17] =	ssyncset.done $0x0  }
0x30: {  	s28 =	smov.u32 s8;
	[sflag:s17] =	ssyncadd.s32 $0xFFFFC000  }
.LBB2_12:
0x31: {  	s2 =	sadd.s32 $0x1, s2  }
0x32: {  	p1 =	sne.s32 s2, s11  }
.Ltmp1:
0x33: {  	s0 =	sadd.s32 s28, s10;
	[bflag:$0x0] =	sbarrier.arrive $0xFFFF;
	(pc) =	sbr.rel @!p1 .LBB2_13-.Ltmp1, $4  }
0x34: {  	[hbm:s0], [sflag:s9] =	dma.local [spmem:s16], $0x2780  }
0x35: {  	_ =	swait.ge [sflag:s17], $0x2780  }
0x36: {  	[sflag:s17] =	ssyncset.done $0x0  }
0x37: {  	[sflag:s17] =	ssyncadd.s32 $0xFFFFD880  }
.LBB2_1:
0x38: {  	[spmem:s16], [sflag:s9] =	dma.local [hbm:s6], $0x2780  }
.Ltmp2:
0x39: {  	_ =	swait.ge [sflag:s17], $0x2780;
	(pc) =	sbr.rel @p0 .LBB2_7-.Ltmp2, $3  }
0x3a: {  	[sflag:s17] =	ssyncset.done $0x0  }
0x3b: {  	[sflag:s17] =	ssyncadd.s32 $0xFFFFD880  }
0x3c: {  	[bflag:$0x0] =	sbarrier.arrive $0xFFFF;
	_ =	sdelay $0x1  }
0x3d: {  	s28 =	simm.s32 $0x0  }
0x3e: {  	[tilespmem:s28], [sflag:$0x3] =	stream.linear.gather [hbm4b:s12+s28], $0x1400, $0x38;
	[tilespmem:$0x1E400] =	vst v63  }
0x3f: {  	_ =	swait.ge [sflag:s17], $0x1400  }
0x40: {  	[sflag:s17] =	ssyncset.done $0x0  }
0x41: {  	[sflag:s17] =	ssyncadd.s32 $0xFFFFEC00  }
0x42: {  	[tilespmem:s18], [sflag:$0x3] =	stream.linear.gather [hbm4b:s13+s28], $0x1400, $0x38;
	[tilespmem:$0x1E400] =	vst v63  }
0x43: {  	_ =	swait.ge [sflag:s17], $0x1400  }
0x44: {  	[sflag:s17] =	ssyncset.done $0x0  }
0x45: {  	[sflag:s17] =	ssyncadd.s32 $0xFFFFEC00  }
0x46: {  	[tilespmem:s20], [sflag:$0x1] =	stream.indirect.gather [hbm4b:s4+s19], $0x80, s28, s19, $0xb8;
	[tilespmem:$0x1E400] =	vst v63  }
0x47: {  	s28 =	simm.s32 $0x80  }
0x48: {  	[tilespmem:s21], [sflag:$0x2] =	stream.indirect.gather [hbm4b:s4+s19], $0x80, s28, s19, $0xb8;
	[tilespmem:$0x1E400] =	vst v63  }
0x49: {  	_ =	swait.ge [sflag:s22], $0x4000  }
0x4a: {  	[sflag:s22] =	ssyncset.done $0x0  }
0x4b: {  	s28 =	simm.s32 $0x1400;
	[sflag:s22] =	ssyncadd.s32 $0xFFFFC000  }
0x4c: {  	[spmem:s1] =	stream.indirect.scatter.add.f32 [tilespmem:s20], [sflag:$0x3], $0x80, s28, s19, $0xb8;
	[tilespmem:$0x1E400] =	vst v63  }
0x4d: {  	_ =	swait.ge [sflag:s17], $0x4000  }
0x4e: {  	[sflag:s17] =	ssyncset.done $0x0  }
0x4f: {  	s28 =	simm.s32 $0x100;
	[sflag:s17] =	ssyncadd.s32 $0xFFFFC000  }
0x50: {  	[tilespmem:s20], [sflag:$0x1] =	stream.indirect.gather [hbm4b:s4+s19], $0x80, s28, s19, $0xb8;
	[tilespmem:$0x1E400] =	vst v63  }
0x51: {  	_ =	swait.ge [sflag:s23], $0x4000  }
0x52: {  	[sflag:s23] =	ssyncset.done $0x0  }
0x53: {  	s28 =	simm.s32 $0x1480;
	[sflag:s23] =	ssyncadd.s32 $0xFFFFC000  }
0x54: {  	[spmem:s1] =	stream.indirect.scatter.add.f32 [tilespmem:s21], [sflag:$0x3], $0x80, s28, s19, $0xb8;
	[tilespmem:$0x1E400] =	vst v63  }
0x55: {  	_ =	swait.ge [sflag:s17], $0x4000  }
0x56: {  	s29 =	simm.s32 $0x800;
	s28 =	simm.s32 $0x100;
	[sflag:s17] =	ssyncset.done $0x0  }
.LBB2_3:
0x57: {  	s30 =	sadd.s32 $0x80, s28  }
0x58: {  	[sflag:s17] =	ssyncadd.s32 $0xFFFFC000;
	s31 =	smov.u32 s29;
	s0 =	sadd.s32 $0x400, s29  }
0x59: {  	[tilespmem:s21], [sflag:$0x2] =	stream.indirect.gather [hbm4b:s4+s19], $0x80, s30, s19, $0xb8;
	[tilespmem:$0x1E400] =	vst v63  }
0x5a: {  	p1 =	sne.s32 s29, $0x4800;
	_ =	swait.ge [sflag:s22], $0x4000  }
0x5b: {  	[sflag:s22] =	ssyncset.done $0x0  }
0x5c: {  	s29 =	sadd.s32 $0x1400, s28;
	[sflag:s22] =	ssyncadd.s32 $0xFFFFC000  }
0x5d: {  	[spmem:s1] =	stream.indirect.scatter.add.f32 [tilespmem:s20], [sflag:$0x3], $0x80, s29, s19, $0xb8;
	[tilespmem:$0x1E400] =	vst v63  }
0x5e: {  	_ =	swait.ge [sflag:s17], $0x4000  }
0x5f: {  	[sflag:s17] =	ssyncset.done $0x0  }
0x60: {  	s29 =	sadd.s32 $0x100, s28;
	[sflag:s17] =	ssyncadd.s32 $0xFFFFC000  }
0x61: {  	[tilespmem:s20], [sflag:$0x1] =	stream.indirect.gather [hbm4b:s4+s19], $0x80, s29, s19, $0xb8;
	[tilespmem:$0x1E400] =	vst v63  }
0x62: {  	_ =	swait.ge [sflag:s23], $0x4000  }
.Ltmp3:
0x63: {  	[sflag:s23] =	ssyncset.done $0x0;
	(pc) =	sbr.rel @p1 .LBB2_3-.Ltmp3, $4  }
0x64: {  	s28 =	sadd.s32 $0x1480, s28;
	[sflag:s23] =	ssyncadd.s32 $0xFFFFC000  }
0x65: {  	[spmem:s1] =	stream.indirect.scatter.add.f32 [tilespmem:s21], [sflag:$0x3], $0x80, s28, s19, $0xb8;
	[tilespmem:$0x1E400] =	vst v63  }
0x66: {  	_ =	swait.ge [sflag:s17], $0x4000  }
0x67: {  	s29 =	smov.u32 s0;
	s28 =	sshra.s32 s31, $0x2;
	[sflag:s17] =	ssyncset.done $0x0  }
0x68: {  	s0 =	sadd.s32 $0x80, s28;
	[sflag:s17] =	ssyncadd.s32 $0xFFFFC000  }
0x69: {  	[tilespmem:s21], [sflag:$0x2] =	stream.indirect.gather [hbm4b:s4+s19], $0x80, s0, s19, $0xb8;
	[tilespmem:$0x1E400] =	vst v63  }
0x6a: {  	_ =	swait.ge [sflag:s22], $0x4000  }
0x6b: {  	[sflag:s22] =	ssyncset.done $0x0  }
0x6c: {  	s30 =	sadd.s32 $0x1400, s28;
	[sflag:s22] =	ssyncadd.s32 $0xFFFFC000  }
0x6d: {  	[spmem:s1] =	stream.indirect.scatter.add.f32 [tilespmem:s20], [sflag:$0x3], $0x80, s30, s19, $0xb8;
	[tilespmem:$0x1E400] =	vst v63  }
0x6e: {  	_ =	swait.ge [sflag:s17], $0x4000  }
0x6f: {  	[sflag:s17] =	ssyncset.done $0x0  }
0x70: {  	s31 =	sadd.s32 $0x100, s28;
	[sflag:s17] =	ssyncadd.s32 $0xFFFFC000  }
0x71: {  	[tilespmem:s20], [sflag:$0x1] =	stream.indirect.gather [hbm4b:s4+s19], $0x80, s31, s19, $0xb8;
	[tilespmem:$0x1E400] =	vst v63  }
0x72: {  	_ =	swait.ge [sflag:s23], $0x4000  }
0x73: {  	[sflag:s23] =	ssyncset.done $0x0  }
0x74: {  	s30 =	sadd.s32 $0x1480, s28;
	[sflag:s23] =	ssyncadd.s32 $0xFFFFC000  }
0x75: {  	[spmem:s1] =	stream.indirect.scatter.add.f32 [tilespmem:s21], [sflag:$0x3], $0x80, s30, s19, $0xb8;
	[tilespmem:$0x1E400] =	vst v63  }
0x76: {  	_ =	swait.ge [sflag:s17], $0x4000  }
0x77: {  	[sflag:s17] =	ssyncset.done $0x0  }
0x78: {  	[sflag:s17] =	ssyncadd.s32 $0xFFFFC000  }
0x79: {  	[tilespmem:s21], [sflag:$0x2] =	stream.indirect.gather [hbm4b:s4+s19], $0x80, s24, s19, $0xb8;
	[tilespmem:$0x1E400] =	vst v63  }
0x7a: {  	_ =	swait.ge [sflag:s22], $0x4000  }
0x7b: {  	[sflag:s22] =	ssyncset.done $0x0  }
0x7c: {  	[sflag:s22] =	ssyncadd.s32 $0xFFFFC000  }
0x7d: {  	[spmem:s1] =	stream.indirect.scatter.add.f32 [tilespmem:s20], [sflag:$0x3], $0x80, s25, s19, $0xb8;
	[tilespmem:$0x1E400] =	vst v63  }
0x7e: {  	_ =	swait.ge [sflag:s17], $0x4000  }
0x7f: {  	[sflag:s17] =	ssyncset.done $0x0  }
0x80: {  	[sflag:s17] =	ssyncadd.s32 $0xFFFFC000  }
0x81: {  	_ =	swait.ge [sflag:s23], $0x4000  }
0x82: {  	[sflag:s23] =	ssyncset.done $0x0  }
0x83: {  	[sflag:s23] =	ssyncadd.s32 $0xFFFFC000  }
0x84: {  	[spmem:s1] =	stream.indirect.scatter.add.f32 [tilespmem:s21], [sflag:$0x3], $0x80, s26, s19, $0xb8;
	[tilespmem:$0x1E400] =	vst v63  }
0x85: {  	_ =	swait.ge [sflag:s17], $0x4000  }
0x86: {  	[sflag:s17] =	ssyncset.done $0x0  }
0x87: {  	s31 =	simm.s32 $0x0;
	[sflag:s17] =	ssyncadd.s32 $0xFFFFC000  }
0x88: {  	[tilespmem:s31], [sflag:$0x3] =	stream.linear.gather [hbm4b:s14+s31], $0x1400, $0x38;
	[tilespmem:$0x1E400] =	vst v63  }
0x89: {  	_ =	swait.ge [sflag:s17], $0x1400  }
0x8a: {  	[sflag:s17] =	ssyncset.done $0x0  }
0x8b: {  	[sflag:s17] =	ssyncadd.s32 $0xFFFFEC00  }
0x8c: {  	[tilespmem:s18], [sflag:$0x3] =	stream.linear.gather [hbm4b:s15+s31], $0x1400, $0x38;
	[tilespmem:$0x1E400] =	vst v63  }
0x8d: {  	_ =	swait.ge [sflag:s17], $0x1400  }
0x8e: {  	[sflag:s17] =	ssyncset.done $0x0  }
0x8f: {  	[sflag:s17] =	ssyncadd.s32 $0xFFFFEC00  }
0x90: {  	[tilespmem:s20], [sflag:$0x1] =	stream.indirect.gather [hbm4b:s4+s19], $0x80, s31, s19, $0xb8;
	[tilespmem:$0x1E400] =	vst v63  }
0x91: {  	s30 =	simm.s32 $0x80  }
0x92: {  	[tilespmem:s21], [sflag:$0x2] =	stream.indirect.gather [hbm4b:s4+s19], $0x80, s30, s19, $0xb8;
	[tilespmem:$0x1E400] =	vst v63  }
0x93: {  	_ =	swait.ge [sflag:s22], $0x4000  }
0x94: {  	[sflag:s22] =	ssyncset.done $0x0  }
0x95: {  	s31 =	simm.s32 $0x1400;
	[sflag:s22] =	ssyncadd.s32 $0xFFFFC000  }
0x96: {  	[spmem:s1] =	stream.indirect.scatter.add.f32 [tilespmem:s20], [sflag:$0x3], $0x80, s31, s19, $0xb8;
	[tilespmem:$0x1E400] =	vst v63  }
0x97: {  	_ =	swait.ge [sflag:s17], $0x4000  }
0x98: {  	[sflag:s17] =	ssyncset.done $0x0  }
0x99: {  	s30 =	simm.s32 $0x100;
	[sflag:s17] =	ssyncadd.s32 $0xFFFFC000  }
0x9a: {  	[tilespmem:s20], [sflag:$0x1] =	stream.indirect.gather [hbm4b:s4+s19], $0x80, s30, s19, $0xb8;
	[tilespmem:$0x1E400] =	vst v63  }
0x9b: {  	_ =	swait.ge [sflag:s23], $0x4000  }
0x9c: {  	[sflag:s23] =	ssyncset.done $0x0  }
0x9d: {  	s31 =	simm.s32 $0x1480;
	[sflag:s23] =	ssyncadd.s32 $0xFFFFC000  }
0x9e: {  	[spmem:s1] =	stream.indirect.scatter.add.f32 [tilespmem:s21], [sflag:$0x3], $0x80, s31, s19, $0xb8;
	[tilespmem:$0x1E400] =	vst v63  }
0x9f: {  	_ =	swait.ge [sflag:s17], $0x4000  }
0xa0: {  	s29 =	simm.s32 $0x800;
	s28 =	simm.s32 $0x100;
	[sflag:s17] =	ssyncset.done $0x0  }
.LBB2_5:
0xa1: {  	s0 =	sadd.s32 $0x80, s28  }
0xa2: {  	[sflag:s17] =	ssyncadd.s32 $0xFFFFC000;
	s30 =	smov.u32 s29;
	s31 =	sadd.s32 $0x400, s29  }
0xa3: {  	[tilespmem:s21], [sflag:$0x2] =	stream.indirect.gather [hbm4b:s4+s19], $0x80, s0, s19, $0xb8;
	[tilespmem:$0x1E400] =	vst v63  }
0xa4: {  	p1 =	sne.s32 s29, $0x4800;
	_ =	swait.ge [sflag:s22], $0x4000  }
0xa5: {  	[sflag:s22] =	ssyncset.done $0x0  }
0xa6: {  	s0 =	sadd.s32 $0x1400, s28;
	[sflag:s22] =	ssyncadd.s32 $0xFFFFC000  }
0xa7: {  	[spmem:s1] =	stream.indirect.scatter.add.f32 [tilespmem:s20], [sflag:$0x3], $0x80, s0, s19, $0xb8;
	[tilespmem:$0x1E400] =	vst v63  }
0xa8: {  	_ =	swait.ge [sflag:s17], $0x4000  }
0xa9: {  	[sflag:s17] =	ssyncset.done $0x0  }
0xaa: {  	s0 =	sadd.s32 $0x100, s28;
	[sflag:s17] =	ssyncadd.s32 $0xFFFFC000  }
0xab: {  	[tilespmem:s20], [sflag:$0x1] =	stream.indirect.gather [hbm4b:s4+s19], $0x80, s0, s19, $0xb8;
	[tilespmem:$0x1E400] =	vst v63  }
0xac: {  	_ =	swait.ge [sflag:s23], $0x4000  }
.Ltmp4:
0xad: {  	[sflag:s23] =	ssyncset.done $0x0;
	(pc) =	sbr.rel @p1 .LBB2_5-.Ltmp4, $4  }
0xae: {  	s0 =	sadd.s32 $0x1480, s28;
	[sflag:s23] =	ssyncadd.s32 $0xFFFFC000  }
0xaf: {  	[spmem:s1] =	stream.indirect.scatter.add.f32 [tilespmem:s21], [sflag:$0x3], $0x80, s0, s19, $0xb8;
	[tilespmem:$0x1E400] =	vst v63  }
0xb0: {  	_ =	swait.ge [sflag:s17], $0x4000  }
0xb1: {  	s29 =	smov.u32 s31;
	s28 =	sshra.s32 s30, $0x2;
	[sflag:s17] =	ssyncset.done $0x0  }
0xb2: {  	s0 =	sadd.s32 $0x80, s28;
	[sflag:s17] =	ssyncadd.s32 $0xFFFFC000  }
0xb3: {  	[tilespmem:s21], [sflag:$0x2] =	stream.indirect.gather [hbm4b:s4+s19], $0x80, s0, s19, $0xb8;
	[tilespmem:$0x1E400] =	vst v63  }
0xb4: {  	_ =	swait.ge [sflag:s22], $0x4000  }
0xb5: {  	[sflag:s22] =	ssyncset.done $0x0  }
0xb6: {  	s29 =	sadd.s32 $0x1400, s28;
	[sflag:s22] =	ssyncadd.s32 $0xFFFFC000  }
0xb7: {  	[spmem:s1] =	stream.indirect.scatter.add.f32 [tilespmem:s20], [sflag:$0x3], $0x80, s29, s19, $0xb8;
	[tilespmem:$0x1E400] =	vst v63  }
0xb8: {  	_ =	swait.ge [sflag:s17], $0x4000  }
0xb9: {  	[sflag:s17] =	ssyncset.done $0x0  }
0xba: {  	s30 =	sadd.s32 $0x100, s28;
	[sflag:s17] =	ssyncadd.s32 $0xFFFFC000  }
0xbb: {  	[tilespmem:s20], [sflag:$0x1] =	stream.indirect.gather [hbm4b:s4+s19], $0x80, s30, s19, $0xb8;
	[tilespmem:$0x1E400] =	vst v63  }
0xbc: {  	_ =	swait.ge [sflag:s23], $0x4000  }
0xbd: {  	[sflag:s23] =	ssyncset.done $0x0  }
0xbe: {  	s31 =	sadd.s32 $0x1480, s28;
	[sflag:s23] =	ssyncadd.s32 $0xFFFFC000  }
0xbf: {  	[spmem:s1] =	stream.indirect.scatter.add.f32 [tilespmem:s21], [sflag:$0x3], $0x80, s31, s19, $0xb8;
	[tilespmem:$0x1E400] =	vst v63  }
0xc0: {  	_ =	swait.ge [sflag:s17], $0x4000  }
0xc1: {  	[sflag:s17] =	ssyncset.done $0x0  }
0xc2: {  	[sflag:s17] =	ssyncadd.s32 $0xFFFFC000  }
0xc3: {  	[tilespmem:s21], [sflag:$0x2] =	stream.indirect.gather [hbm4b:s4+s19], $0x80, s24, s19, $0xb8;
	[tilespmem:$0x1E400] =	vst v63  }
0xc4: {  	_ =	swait.ge [sflag:s22], $0x4000  }
0xc5: {  	[sflag:s22] =	ssyncset.done $0x0  }
0xc6: {  	[sflag:s22] =	ssyncadd.s32 $0xFFFFC000  }
0xc7: {  	[spmem:s1] =	stream.indirect.scatter.add.f32 [tilespmem:s20], [sflag:$0x3], $0x80, s25, s19, $0xb8;
	[tilespmem:$0x1E400] =	vst v63  }
0xc8: {  	_ =	swait.ge [sflag:s17], $0x4000  }
0xc9: {  	[sflag:s17] =	ssyncset.done $0x0  }
0xca: {  	[sflag:s17] =	ssyncadd.s32 $0xFFFFC000  }
0xcb: {  	_ =	swait.ge [sflag:s23], $0x4000  }
0xcc: {  	[sflag:s23] =	ssyncset.done $0x0  }
.Ltmp5:
0xcd: {  	[sflag:s23] =	ssyncadd.s32 $0xFFFFC000;
	(pc) =	sbr.rel .LBB2_12-.Ltmp5, $4  }
0xce: {  	[spmem:s1] =	stream.indirect.scatter.add.f32 [tilespmem:s21], [sflag:$0x3], $0x80, s26, s19, $0xb8;
	[tilespmem:$0x1E400] =	vst v63  }
0xcf: {  	_ =	swait.ge [sflag:s17], $0x4000  }
0xd0: {  	[sflag:s17] =	ssyncset.done $0x0  }
0xd1: {  	s28 =	smov.u32 s7;
	[sflag:s17] =	ssyncadd.s32 $0xFFFFC000  }
.LBB2_7:
0xd2: {  	s0 =	simm.s32 $0x0  }
0xd3: {  	[tilespmem:s0], [sflag:$0x3] =	stream.linear.gather [hbm4b:s12+s0], $0x1400, $0x38;
	[tilespmem:$0x1E400] =	vst v63  }
0xd4: {  	_ =	swait.ge [sflag:s17], $0x1400  }
0xd5: {  	[sflag:s17] =	ssyncset.done $0x0  }
0xd6: {  	[sflag:s17] =	ssyncadd.s32 $0xFFFFEC00  }
0xd7: {  	[tilespmem:s18], [sflag:$0x3] =	stream.linear.gather [hbm4b:s13+s0], $0x1400, $0x38;
	[tilespmem:$0x1E400] =	vst v63  }
0xd8: {  	_ =	swait.ge [sflag:s17], $0x1400  }
0xd9: {  	[sflag:s17] =	ssyncset.done $0x0  }
0xda: {  	[sflag:s17] =	ssyncadd.s32 $0xFFFFEC00  }
0xdb: {  	[tilespmem:s20], [sflag:$0x1] =	stream.indirect.gather [hbm4b:s5+s19], $0x80, s0, s19, $0xb8;
	[tilespmem:$0x1E400] =	vst v63  }
0xdc: {  	s30 =	simm.s32 $0x80  }
0xdd: {  	[tilespmem:s21], [sflag:$0x2] =	stream.indirect.gather [hbm4b:s5+s19], $0x80, s30, s19, $0xb8;
	[tilespmem:$0x1E400] =	vst v63  }
0xde: {  	_ =	swait.ge [sflag:s22], $0x4000  }
0xdf: {  	[sflag:s22] =	ssyncset.done $0x0  }
0xe0: {  	s31 =	simm.s32 $0x1400;
	[sflag:s22] =	ssyncadd.s32 $0xFFFFC000  }
0xe1: {  	[spmem:s1] =	stream.indirect.scatter.add.f32 [tilespmem:s20], [sflag:$0x3], $0x80, s31, s19, $0xb8;
	[tilespmem:$0x1E400] =	vst v63  }
0xe2: {  	_ =	swait.ge [sflag:s17], $0x4000  }
0xe3: {  	[sflag:s17] =	ssyncset.done $0x0  }
0xe4: {  	s30 =	simm.s32 $0x100;
	[sflag:s17] =	ssyncadd.s32 $0xFFFFC000  }
0xe5: {  	[tilespmem:s20], [sflag:$0x1] =	stream.indirect.gather [hbm4b:s5+s19], $0x80, s30, s19, $0xb8;
	[tilespmem:$0x1E400] =	vst v63  }
0xe6: {  	_ =	swait.ge [sflag:s23], $0x4000  }
0xe7: {  	[sflag:s23] =	ssyncset.done $0x0  }
0xe8: {  	s31 =	simm.s32 $0x1480;
	[sflag:s23] =	ssyncadd.s32 $0xFFFFC000  }
0xe9: {  	[spmem:s1] =	stream.indirect.scatter.add.f32 [tilespmem:s21], [sflag:$0x3], $0x80, s31, s19, $0xb8;
	[tilespmem:$0x1E400] =	vst v63  }
0xea: {  	_ =	swait.ge [sflag:s17], $0x4000  }
0xeb: {  	s29 =	simm.s32 $0x800;
	s28 =	simm.s32 $0x100;
	[sflag:s17] =	ssyncset.done $0x0  }
.LBB2_8:
0xec: {  	s0 =	sadd.s32 $0x80, s28  }
0xed: {  	[sflag:s17] =	ssyncadd.s32 $0xFFFFC000;
	s30 =	smov.u32 s29;
	s31 =	sadd.s32 $0x400, s29  }
0xee: {  	[tilespmem:s21], [sflag:$0x2] =	stream.indirect.gather [hbm4b:s5+s19], $0x80, s0, s19, $0xb8;
	[tilespmem:$0x1E400] =	vst v63  }
0xef: {  	p1 =	sne.s32 s29, $0x4800;
	_ =	swait.ge [sflag:s22], $0x4000  }
0xf0: {  	[sflag:s22] =	ssyncset.done $0x0  }
0xf1: {  	s0 =	sadd.s32 $0x1400, s28;
	[sflag:s22] =	ssyncadd.s32 $0xFFFFC000  }
0xf2: {  	[spmem:s1] =	stream.indirect.scatter.add.f32 [tilespmem:s20], [sflag:$0x3], $0x80, s0, s19, $0xb8;
	[tilespmem:$0x1E400] =	vst v63  }
0xf3: {  	_ =	swait.ge [sflag:s17], $0x4000  }
0xf4: {  	[sflag:s17] =	ssyncset.done $0x0  }
0xf5: {  	s0 =	sadd.s32 $0x100, s28;
	[sflag:s17] =	ssyncadd.s32 $0xFFFFC000  }
0xf6: {  	[tilespmem:s20], [sflag:$0x1] =	stream.indirect.gather [hbm4b:s5+s19], $0x80, s0, s19, $0xb8;
	[tilespmem:$0x1E400] =	vst v63  }
0xf7: {  	_ =	swait.ge [sflag:s23], $0x4000  }
.Ltmp6:
0xf8: {  	[sflag:s23] =	ssyncset.done $0x0;
	(pc) =	sbr.rel @p1 .LBB2_8-.Ltmp6, $4  }
0xf9: {  	s0 =	sadd.s32 $0x1480, s28;
	[sflag:s23] =	ssyncadd.s32 $0xFFFFC000  }
0xfa: {  	[spmem:s1] =	stream.indirect.scatter.add.f32 [tilespmem:s21], [sflag:$0x3], $0x80, s0, s19, $0xb8;
	[tilespmem:$0x1E400] =	vst v63  }
0xfb: {  	_ =	swait.ge [sflag:s17], $0x4000  }
0xfc: {  	s29 =	smov.u32 s31;
	s28 =	sshra.s32 s30, $0x2;
	[sflag:s17] =	ssyncset.done $0x0  }
0xfd: {  	s0 =	sadd.s32 $0x80, s28;
	[sflag:s17] =	ssyncadd.s32 $0xFFFFC000  }
0xfe: {  	[tilespmem:s21], [sflag:$0x2] =	stream.indirect.gather [hbm4b:s5+s19], $0x80, s0, s19, $0xb8;
	[tilespmem:$0x1E400] =	vst v63  }
0xff: {  	_ =	swait.ge [sflag:s22], $0x4000  }
0x100: {  	[sflag:s22] =	ssyncset.done $0x0  }
0x101: {  	s30 =	sadd.s32 $0x1400, s28;
	[sflag:s22] =	ssyncadd.s32 $0xFFFFC000  }
0x102: {  	[spmem:s1] =	stream.indirect.scatter.add.f32 [tilespmem:s20], [sflag:$0x3], $0x80, s30, s19, $0xb8;
	[tilespmem:$0x1E400] =	vst v63  }
0x103: {  	_ =	swait.ge [sflag:s17], $0x4000  }
0x104: {  	[sflag:s17] =	ssyncset.done $0x0  }
0x105: {  	s31 =	sadd.s32 $0x100, s28;
	[sflag:s17] =	ssyncadd.s32 $0xFFFFC000  }
0x106: {  	[tilespmem:s20], [sflag:$0x1] =	stream.indirect.gather [hbm4b:s5+s19], $0x80, s31, s19, $0xb8;
	[tilespmem:$0x1E400] =	vst v63  }
0x107: {  	_ =	swait.ge [sflag:s23], $0x4000  }
0x108: {  	[sflag:s23] =	ssyncset.done $0x0  }
0x109: {  	s30 =	sadd.s32 $0x1480, s28;
	[sflag:s23] =	ssyncadd.s32 $0xFFFFC000  }
0x10a: {  	[spmem:s1] =	stream.indirect.scatter.add.f32 [tilespmem:s21], [sflag:$0x3], $0x80, s30, s19, $0xb8;
	[tilespmem:$0x1E400] =	vst v63  }
0x10b: {  	_ =	swait.ge [sflag:s17], $0x4000  }
0x10c: {  	[sflag:s17] =	ssyncset.done $0x0  }
0x10d: {  	[sflag:s17] =	ssyncadd.s32 $0xFFFFC000  }
0x10e: {  	[tilespmem:s21], [sflag:$0x2] =	stream.indirect.gather [hbm4b:s5+s19], $0x80, s24, s19, $0xb8;
	[tilespmem:$0x1E400] =	vst v63  }
0x10f: {  	_ =	swait.ge [sflag:s22], $0x4000  }
0x110: {  	[sflag:s22] =	ssyncset.done $0x0  }
0x111: {  	[sflag:s22] =	ssyncadd.s32 $0xFFFFC000  }
0x112: {  	[spmem:s1] =	stream.indirect.scatter.add.f32 [tilespmem:s20], [sflag:$0x3], $0x80, s25, s19, $0xb8;
	[tilespmem:$0x1E400] =	vst v63  }
0x113: {  	_ =	swait.ge [sflag:s17], $0x4000  }
0x114: {  	[sflag:s17] =	ssyncset.done $0x0  }
0x115: {  	[sflag:s17] =	ssyncadd.s32 $0xFFFFC000  }
0x116: {  	_ =	swait.ge [sflag:s23], $0x4000  }
0x117: {  	[sflag:s23] =	ssyncset.done $0x0  }
0x118: {  	[sflag:s23] =	ssyncadd.s32 $0xFFFFC000  }
0x119: {  	[spmem:s1] =	stream.indirect.scatter.add.f32 [tilespmem:s21], [sflag:$0x3], $0x80, s26, s19, $0xb8;
	[tilespmem:$0x1E400] =	vst v63  }
0x11a: {  	_ =	swait.ge [sflag:s17], $0x4000  }
0x11b: {  	[sflag:s17] =	ssyncset.done $0x0  }
0x11c: {  	s31 =	simm.s32 $0x0;
	[sflag:s17] =	ssyncadd.s32 $0xFFFFC000  }
0x11d: {  	[tilespmem:s31], [sflag:$0x3] =	stream.linear.gather [hbm4b:s14+s31], $0x1400, $0x38;
	[tilespmem:$0x1E400] =	vst v63  }
0x11e: {  	_ =	swait.ge [sflag:s17], $0x1400  }
0x11f: {  	[sflag:s17] =	ssyncset.done $0x0  }
0x120: {  	[sflag:s17] =	ssyncadd.s32 $0xFFFFEC00  }
0x121: {  	[tilespmem:s18], [sflag:$0x3] =	stream.linear.gather [hbm4b:s15+s31], $0x1400, $0x38;
	[tilespmem:$0x1E400] =	vst v63  }
0x122: {  	_ =	swait.ge [sflag:s17], $0x1400  }
0x123: {  	[sflag:s17] =	ssyncset.done $0x0  }
0x124: {  	[sflag:s17] =	ssyncadd.s32 $0xFFFFEC00  }
0x125: {  	[tilespmem:s20], [sflag:$0x1] =	stream.indirect.gather [hbm4b:s5+s19], $0x80, s31, s19, $0xb8;
	[tilespmem:$0x1E400] =	vst v63  }
0x126: {  	s30 =	simm.s32 $0x80  }
0x127: {  	[tilespmem:s21], [sflag:$0x2] =	stream.indirect.gather [hbm4b:s5+s19], $0x80, s30, s19, $0xb8;
	[tilespmem:$0x1E400] =	vst v63  }
0x128: {  	_ =	swait.ge [sflag:s22], $0x4000  }
0x129: {  	[sflag:s22] =	ssyncset.done $0x0  }
0x12a: {  	s31 =	simm.s32 $0x1400;
	[sflag:s22] =	ssyncadd.s32 $0xFFFFC000  }
0x12b: {  	[spmem:s1] =	stream.indirect.scatter.add.f32 [tilespmem:s20], [sflag:$0x3], $0x80, s31, s19, $0xb8;
	[tilespmem:$0x1E400] =	vst v63  }
0x12c: {  	_ =	swait.ge [sflag:s17], $0x4000  }
0x12d: {  	[sflag:s17] =	ssyncset.done $0x0  }
0x12e: {  	s30 =	simm.s32 $0x100;
	[sflag:s17] =	ssyncadd.s32 $0xFFFFC000  }
0x12f: {  	[tilespmem:s20], [sflag:$0x1] =	stream.indirect.gather [hbm4b:s5+s19], $0x80, s30, s19, $0xb8;
	[tilespmem:$0x1E400] =	vst v63  }
0x130: {  	_ =	swait.ge [sflag:s23], $0x4000  }
0x131: {  	[sflag:s23] =	ssyncset.done $0x0  }
0x132: {  	s31 =	simm.s32 $0x1480;
	[sflag:s23] =	ssyncadd.s32 $0xFFFFC000  }
0x133: {  	[spmem:s1] =	stream.indirect.scatter.add.f32 [tilespmem:s21], [sflag:$0x3], $0x80, s31, s19, $0xb8;
	[tilespmem:$0x1E400] =	vst v63  }
0x134: {  	_ =	swait.ge [sflag:s17], $0x4000  }
0x135: {  	s29 =	simm.s32 $0x800;
	s28 =	simm.s32 $0x100;
	[sflag:s17] =	ssyncset.done $0x0  }
.LBB2_10:
0x136: {  	s0 =	sadd.s32 $0x80, s28  }
0x137: {  	[sflag:s17] =	ssyncadd.s32 $0xFFFFC000;
	s30 =	smov.u32 s29;
	s31 =	sadd.s32 $0x400, s29  }
0x138: {  	[tilespmem:s21], [sflag:$0x2] =	stream.indirect.gather [hbm4b:s5+s19], $0x80, s0, s19, $0xb8;
	[tilespmem:$0x1E400] =	vst v63  }
0x139: {  	p1 =	sne.s32 s29, $0x4800;
	_ =	swait.ge [sflag:s22], $0x4000  }
0x13a: {  	[sflag:s22] =	ssyncset.done $0x0  }
0x13b: {  	s0 =	sadd.s32 $0x1400, s28;
	[sflag:s22] =	ssyncadd.s32 $0xFFFFC000  }
0x13c: {  	[spmem:s1] =	stream.indirect.scatter.add.f32 [tilespmem:s20], [sflag:$0x3], $0x80, s0, s19, $0xb8;
	[tilespmem:$0x1E400] =	vst v63  }
0x13d: {  	_ =	swait.ge [sflag:s17], $0x4000  }
0x13e: {  	[sflag:s17] =	ssyncset.done $0x0  }
0x13f: {  	s0 =	sadd.s32 $0x100, s28;
	[sflag:s17] =	ssyncadd.s32 $0xFFFFC000  }
0x140: {  	[tilespmem:s20], [sflag:$0x1] =	stream.indirect.gather [hbm4b:s5+s19], $0x80, s0, s19, $0xb8;
	[tilespmem:$0x1E400] =	vst v63  }
0x141: {  	_ =	swait.ge [sflag:s23], $0x4000  }
.Ltmp7:
0x142: {  	[sflag:s23] =	ssyncset.done $0x0;
	(pc) =	sbr.rel @p1 .LBB2_10-.Ltmp7, $4  }
0x143: {  	s0 =	sadd.s32 $0x1480, s28;
	[sflag:s23] =	ssyncadd.s32 $0xFFFFC000  }
0x144: {  	[spmem:s1] =	stream.indirect.scatter.add.f32 [tilespmem:s21], [sflag:$0x3], $0x80, s0, s19, $0xb8;
	[tilespmem:$0x1E400] =	vst v63  }
0x145: {  	_ =	swait.ge [sflag:s17], $0x4000  }
0x146: {  	s29 =	smov.u32 s31;
	s28 =	sshra.s32 s30, $0x2;
	[sflag:s17] =	ssyncset.done $0x0  }
.Ltmp8:
0x147: {  	_ = 	snop;
	(pc) =	sbr.rel .LBB2_11-.Ltmp8, $1  }
0x148: {  	_ =	sdelay $0x3  }
.LBB2_13:
0x149: {  	_ =	sfence.sel $0x180000  }
0x14a: {  	[bflag:$0x0] =	sbarrier.arrive $0xFFFF  }
0x14b: {  	_ =	strace $0x9000004A  }
0x14c: {  	[bflag:$0x2] =	sbarrier.arrive $0xFFFF  }
0x14d: {  	p0 =	sne.s32 s3, $0x0;
	s0 =	rddreg [dreg:$0x3]  }
0x14e: {  	s0 =	sadd.s32 @!p0 $0x100000, s0  }
0x14f: {  	[sflag:s0] =	ssyncadd.tile.s32 @!p0 $0x1;
	_ =	shalt  }
.Lfunc_end2:
_tile_overlayer_lowered:
.L_overlay_start_2:
0x150: {  	(tag) =	ssettag $0x2  }
0x151: {  	s0 =	rddreg [dreg:$0x0];
	s2 =	stileid.u32  }
0x152: {  	s1 =	rddreg [dreg:$0x1];
	p0 =	sne.s32 s2, $0x0  }
0x153: {  	s3 =	rddreg [dreg:$0x2];
	[bflag:$0x3] =	sbarrier.arrive $0xFFFF;
	s2 =	simm.s32 @!p0 $0x1C03  }
0x154: {  	[timem:s3], [sflag:s2] =	dma.local @!p0 [hbm:s0], s1  }
0x155: {  	s0 =	simm.s32 @!p0 $0x3  }
0x156: {  	_ =	swait.ge @!p0 [sflag:s0], s1  }
0x157: {  	s1 =	ssub.s32 @!p0 $0x0, s1;
	[sflag:s0] =	ssyncset.done @!p0 $0x0  }
0x158: {  	[sflag:s0] =	ssyncadd.s32 @!p0 s1  }
0x159: {  	[bflag:$0x3] =	sbarrier.arrive $0xFFFF  }
0x15a: {  	_ =	shalt  }

// kernel: kernel.13.cloned.1.call-start
scs
__scs_entry_jumppad:
0x0: {  	(pc) =	sbr.rel $0x88, $3  }
0x1: {  	(tag) =	ssettag $0x0;
	lr =	simm.s32 $0x1  }
0x2: {  	[smem:$0x3F99] =	sst lr;
	_ =	strace $0xD0000000  }
0x3: {  	_ = 	snop  }
0x4: {  	_ = 	snop  }
0x5: {  	_ = 	snop  }
0x6: {  	_ = 	snop  }
0x7: {  	_ = 	snop  }
__scs_overlays_trampoline_lowered:
0x8: {  	[smem:$0x3FA8] =	sst s0  }
0x9: {  	[smem:$0x3FA9] =	sst s1  }
0xa: {  	[smem:$0x3FAA] =	sst s2  }
0xb: {  	[smem:$0x3FAB] =	sst s3  }
0xc: {  	[smem:$0x3FAC] =	sst s4  }
0xd: {  	[smem:$0x3FAD] =	sst s5  }
0xe: {  	[smem:$0x3FAE] =	sst s6  }
0xf: {  	[smem:$0x3FAF] =	sst s7  }
0x10: {  	[smem:$0x3FB0] =	sst s8  }
0x11: {  	[smem:$0x3FB1] =	sst s9;
	s0 =	simm.s32 @!p0 $0x0  }
0x12: {  	s1 =	sld [smem:$0x3F97];
	s0 =	simm.s32 @p0 $0x1  }
0x13: {  	[smem:$0x3FB2] =	sst s0;
	s0 =	simm.s32 @!p1 $0x0  }
0x14: {  	s2 =	sld [smem:$0x3F96];
	s0 =	simm.s32 @p1 $0x1  }
0x15: {  	[smem:$0x3FB3] =	sst s0;
	s0 =	simm.s32 @!p2 $0x0  }
0x16: {  	s3 =	sld [smem:$0x3FDB];
	s0 =	simm.s32 @p2 $0x1  }
0x17: {  	s4 =	simm.s32 $0x1BF5;
	[smem:$0x3FB5] =	sst s0  }
0x18: {  	s0 =	sld [smem:$0x3F98];
	_ =	swait.ge [sflag:s4], $0x0  }
0x19: {  	s7 =	sld [smem:$0x3F99]  }
0x1a: {  	s8 =	sadd.s32 $0xFFFFE003, lr  }
0x1b: {  	s9 =	sadd.s32 $0xFFFFFEF7, lr;
	s5 =	simm.s32 $0xFFFFFFFF;
	p2 =	slt.u32 s8, $0xFFFFF086  }
0x1c: {  	p1 =	slt.u32 s9, $0xF7A;
	s5 =	simm.s32 @!p2 $0x0  }
0x1d: {  	s5 =	simm.s32 @p1 $0x1;
	p0 =	seq.s32 s7, s2  }
0x1e: {  	s7 =	smul.u32 @!p0 $0xF7A, s2;
	p2 =	seq.s32 @!p0 s5, $0x0  }
0x1f: {  	s9 =	smul.u32 $0xF7A, s1;
	s8 =	simm.s32 @!p0 $0x1BF5;
	p2 =	por !p2, p0  }
0x20: {  	[sflag:s8] =	ssyncset.s32 @!p0 $0xFFFFF086;
	s6 =	sadd.s32 @!p0 s3, s7;
	s7 =	simm.s32 @!p0 $0x108  }
0x21: {  	s3 =	sadd.s32 s3, s9;
	s6 =	sadd.s32 @!p0 $0x88, s6;
	s7 =	simm.s32 @p2 $0x1082  }
0x22: {  	[simem:s7], [sflag:s8] =	dma.local @!p0 [hbm:s6], $0xF7A  }
0x23: {  	s9 =	sor.u32 $0xD0000000, s2;
	s6 =	simm.s32 $0x108;
	_ =	swait.ge @!p0 [sflag:s8], $0x0  }
0x24: {  	s3 =	sadd.s32 $0x88, s3;
	s6 =	simm.s32 @!p1 $0x1082;
	[sflag:s4] =	ssyncset.s32 $0xFFFFF086  }
0x25: {  	[simem:s6], [sflag:s4] =	dma.local [hbm:s3], $0xF7A  }
0x26: {  	[smem:$0x3F99] =	sst s1;
	(tag) =	ssettag s2;
	_ =	strace s9  }
0x27: {  	s1 =	sld [smem:$0x3FA9]  }
0x28: {  	s2 =	sld [smem:$0x3FAA]  }
0x29: {  	s4 =	sld [smem:$0x3FAC]  }
0x2a: {  	p0 =	seq.s32 s5, $0x0;
	s5 =	sld [smem:$0x3FAD]  }
0x2b: {  	s6 =	sld [smem:$0x3FAE]  }
0x2c: {  	s7 =	sld [smem:$0x3FAF]  }
0x2d: {  	s3 =	simm.s32 $0x108;
	s8 =	sld [smem:$0x3FB0]  }
0x2e: {  	s3 =	simm.s32 @!p0 $0x1082;
	s9 =	sld [smem:$0x3FB1]  }
0x2f: {  	lr =	sadd.s32 s0, s3;
	s0 =	sld [smem:$0x3FA8]  }
0x30: {  	s3 =	sld [smem:$0x3FAB]  }
0x31: {  	[smem:$0x3FB4] =	sst s10  }
0x32: {  	s10 =	sld [smem:$0x3FB2];
	_ =	sdelay $0x3  }
0x33: {  	p0 =	seq.s32 s10, $0x1;
	s10 =	sld [smem:$0x3FB4];
	_ =	sdelay $0x3  }
0x34: {  	[smem:$0x3FB4] =	sst s10  }
0x35: {  	s10 =	sld [smem:$0x3FB3];
	_ =	sdelay $0x3  }
0x36: {  	p1 =	seq.s32 s10, $0x1;
	s10 =	sld [smem:$0x3FB4];
	_ =	sdelay $0x3  }
0x37: {  	[smem:$0x3FB4] =	sst s10  }
0x38: {  	s10 =	sld [smem:$0x3FB5]  }
0x39: {  	_ = 	snop;
	(pc) =	sbr.ind lr, $3  }
0x3a: {  	_ = 	snop  }
0x3b: {  	_ = 	snop  }
0x3c: {  	p2 =	seq.s32 s10, $0x1;
	s10 =	sld [smem:$0x3FB4]  }
0x3d: {  	_ =	shalt  }
0x3e: {  	_ =	shalt  }
0x3f: {  	_ =	shalt  }
0x40: {  	_ =	shalt  }
0x41: {  	_ =	shalt  }
0x42: {  	_ =	shalt  }
0x43: {  	_ =	shalt  }
0x44: {  	_ =	shalt  }
0x45: {  	_ =	shalt  }
0x46: {  	_ =	shalt  }
0x47: {  	_ =	shalt  }
0x48: {  	_ =	shalt  }
0x49: {  	_ =	shalt  }
0x4a: {  	_ =	shalt  }
0x4b: {  	_ =	shalt  }
0x4c: {  	_ =	shalt  }
0x4d: {  	_ =	shalt  }
0x4e: {  	_ =	shalt  }
0x4f: {  	_ =	shalt  }
0x50: {  	_ =	shalt  }
0x51: {  	_ =	shalt  }
0x52: {  	_ =	shalt  }
0x53: {  	_ =	shalt  }
0x54: {  	_ =	shalt  }
0x55: {  	_ =	shalt  }
0x56: {  	_ =	shalt  }
0x57: {  	_ =	shalt  }
0x58: {  	_ =	shalt  }
0x59: {  	_ =	shalt  }
0x5a: {  	_ =	shalt  }
0x5b: {  	_ =	shalt  }
0x5c: {  	_ =	shalt  }
0x5d: {  	_ =	shalt  }
0x5e: {  	_ =	shalt  }
0x5f: {  	_ =	shalt  }
0x60: {  	_ =	shalt  }
0x61: {  	_ =	shalt  }
0x62: {  	_ =	shalt  }
0x63: {  	_ =	shalt  }
0x64: {  	_ =	shalt  }
0x65: {  	_ =	shalt  }
0x66: {  	_ =	shalt  }
0x67: {  	_ =	shalt  }
0x68: {  	_ =	shalt  }
0x69: {  	_ =	shalt  }
0x6a: {  	_ =	shalt  }
0x6b: {  	_ =	shalt  }
0x6c: {  	_ =	shalt  }
0x6d: {  	_ =	shalt  }
0x6e: {  	_ =	shalt  }
0x6f: {  	_ =	shalt  }
0x70: {  	_ =	shalt  }
0x71: {  	_ =	shalt  }
0x72: {  	_ =	shalt  }
0x73: {  	_ =	shalt  }
0x74: {  	_ =	shalt  }
0x75: {  	_ =	shalt  }
0x76: {  	_ =	shalt  }
0x77: {  	_ =	shalt  }
0x78: {  	_ =	shalt  }
0x79: {  	_ =	shalt  }
0x7a: {  	_ =	shalt  }
0x7b: {  	_ =	shalt  }
0x7c: {  	_ =	shalt  }
0x7d: {  	_ =	shalt  }
0x7e: {  	_ =	shalt  }
0x7f: {  	_ =	shalt  }
0x80: {  	_ =	shalt  }
0x81: {  	_ =	shalt  }
0x82: {  	_ =	shalt  }
0x83: {  	_ =	shalt  }
0x84: {  	_ =	shalt  }
0x85: {  	_ =	shalt  }
0x86: {  	_ =	shalt  }
0x87: {  	_ =	shalt  }
.Lfunc_end0:
.L_simem_size_0:
called_computation.2_lowered:
.L_overlay_start_0:
0x88: {  	s2 =	sld [smem:$0x3FD9]  }
0x89: {  	s3 =	sld [smem:$0x3FFE];
	_ =	sdelay $0x1  }
0x8a: {  	s1 =	srdreg.scid  }
0x8b: {  	s0 =	sand.u32 $0x1, s1  }
0x8c: {  	s17 =	sshll.u32 s0, $0xA;
	s2 =	sadd.s32 s3, s2  }
0x8d: {  	s2 =	sadd.s32 s2, s17  }
0x8e: {  	[smem:$0x3FC0] =	sst s2  }
0x8f: {  	_ = 	snop  }
0x90: {  	s2 =	sld [smem:$0x3FD0];
	(tm) =	ssettm $0x1  }
0x91: {  	s18 =	sld [smem:$0x3FFB];
	_ =	sdelay $0x3  }
0x92: {  	_ =	strace s18  }
0x93: {  	s3 =	sld [smem:$0x3FFC];
	_ =	sdelay $0x3  }
0x94: {  	_ =	strace s3  }
0x95: {  	s3 =	sld [smem:$0x3FFD];
	_ =	sdelay $0x3  }
0x96: {  	_ =	strace s3  }
0x97: {  	_ =	strace $0x8FFFFFFF  }
0x98: {  	s19 =	sld [smem:$0x3FDB];
	_ =	sdelay $0x1  }
0x99: {  	s4 =	simm.s32 $_scs_section_size  }
0x9a: {  	s5 =	simm.s32 $_size__tile_overlayer_lowered;
	s6 =	simm.s32 $_tile_overlayer_lowered  }
0x9b: {  	s22 =	simm.s32 $0x1BFF;
	s21 =	sshll.u32 s6, $0x1;
	s3 =	sadd.s32 s4, s19  }
0x9c: {  	s7 =	simm.s32 $0x0;
	s20 =	sshll.u32 s5, $0x1;
	s5 =	sadd.s32 s21, s3  }
0x9d: {  	[timem:s7], [sflag:s22] =	dma.local [hbm:s5], s20  }
0x9e: {  	_ =	swait.ge [sflag:s22], s20  }
0x9f: {  	s4 =	ssub.s32 $0x0, s20;
	[sflag:s22] =	ssyncset.done $0x0  }
0xa0: {  	[sflag:s22] =	ssyncadd.s32 s4;
	_ =	sdelay $0x1  }
0xa1: {  	s23 =	simm.s32 $0x1B8B  }
0xa2: {  	_ =	swait.ge [sflag:s23], $0x1  }
0xa3: {  	[sflag:s23] =	ssyncset.done $0x0  }
0xa4: {  	s25 =	simm.s32 $0x1B8E;
	s24 =	sld [smem:$0x3FFE];
	[sflag:s23] =	ssyncadd.s32 $0xFFFFFFFF  }
0xa5: {  	s26 =	simm.s32 $execute0_lowered;
	[smem:$0x3FD2] =	sst s25  }
0xa6: {  	s5 =	sshll.u32 s26, $0x1;
	_ =	strace $0x8000004C;
	[dreg:$0x1] =	wrdreg $0xFFFFFFFF  }
0xa7: {  	s28 =	simm.s32 $_size_execute0_lowered;
	s3 =	sadd.s32 s3, s5;
	[dreg:$0x0] =	wrdreg $0x0  }
0xa8: {  	s5 =	sshll.u32 s28, $0x1;
	[dreg:$0x2] =	wrdreg s3  }
0xa9: {  	[dreg:$0x3] =	wrdreg s5  }
0xaa: {  	[dreg:$0x4] =	wrdreg $0xC0  }
0xab: {  	_ =	task [dreg:s7], $0x5FFFF  }
0xac: {  	[dreg:$0x1] =	wrdreg $0xFFFFFFFF  }
0xad: {  	[dreg:$0x0] =	wrdreg $0x60  }
0xae: {  	[dreg:$0x2] =	wrdreg s24  }
0xaf: {  	[dreg:$0x3] =	wrdreg s2  }
0xb0: {  	[dreg:$0x4] =	wrdreg $0xA8000  }
0xb1: {  	[dreg:$0x5] =	wrdreg $0x9  }
0xb2: {  	_ =	task.clear_ibuf [dreg:s7], $0x6FFFF;
	_ =	strace $0x9000004C  }
0xb3: {  	s29 =	simm.s32 $0x9;
	_ =	strace $0x8000004E  }
0xb4: {  	_ =	swait.ge [sflag:s29], $0x1  }
0xb5: {  	[sflag:s29] =	ssyncadd.s32 $0xFFFFFFFF  }
0xb6: {  	_ =	strace $0x9000004E  }
0xb7: {  	_ =	sfence  }
0xb8: {  	s30 =	sld [smem:$0x0];
	_ =	sdelay $0x2  }
0xb9: {  	s31 =	sshll.u32 s1, $0xD;
	s1 =	sshrl.u32 s1, $0x2  }
0xba: {  	s3 =	sand.u32 $0x4000, s31;
	s1 =	sadd.s32 s1, s30  }
0xbb: {  	s0 =	sor.u32 s3, s0;
	s1 =	sshll.u32 s1, $0x11  }
0xbc: {  	s0 =	sor.u32 s1, s0  }
0xbd: {  	s0 =	sadd.s32 $0x8F2B, s0  }
0xbe: {  	[sflag:s0] =	ssyncadd.remote.s32 $0x1  }
0xbf: {  	_ =	sfence.sel $0xFFFF  }
0xc0: {  	[dreg:$0x0] =	wrdreg $0xFFFFFFFF;
	(pc) =	sbr.abs _section_cstart, $3  }
0xc1: {  	[dreg:$0x1] =	wrdreg $0xFFFFFFFF  }
0xc2: {  	_ =	task.clear_ibuf [dreg:s7], $0x2FFFF;
	_ =	strace $0x9FFFFFFF  }
0xc3: {  	(tm) =	ssettm $0x7FFFFFFF  }
tec
execute0_lowered:
.L_overlay_start_1:
0x0: {  	(tag) =	ssettag $0x1  }
0x1: {  	s8 =	rddreg [dreg:$0x0]  }
0x2: {  	s7 =	rddreg [dreg:$0x1];
	s1 =	srdreg.scid  }
0x3: {  	s0 =	stileid.u32;
	s2 =	rddreg [dreg:$0x2];
	s3 =	simm.s32 $0x0  }
0x4: {  	s15 =	simm.s32 $0x2800;
	s16 =	simm.s32 $0x6800;
	s17 =	simm.s32 $0x1  }
0x5: {  	s18 =	simm.s32 $0x2;
	s19 =	simm.s32 $0x1380;
	s20 =	simm.s32 $0x2700  }
0x6: {  	s21 =	simm.s32 $0x2780;
	s6 =	sand.u32 $0x1, s1;
	s1 =	rddreg [dreg:$0x3]  }
0x7: {  	s22 =	simm.s32 $0x0;
	s4 =	sshll.u32 s0, $0x1;
	[smem:$0x7FF] =	sst s3  }
0x8: {  	s11 =	smul.u32 $0x4F000, s0;
	s5 =	sadd.s32 $0x57400, s8;
	s31 =	sshll.u32 s0, $0x6  }
0x9: {  	s14 =	smul.u32 $0x2780, s0;
	s4 =	sor.u32 s6, s4;
	_ =	strace $0x8000004D  }
0xa: {  	s10 =	ssub.s32 $0x2, s6;
	p0 =	seq.s32 s6, $0x1;
	s6 =	sor.u32 $0x1C03, s31  }
0xb: {  	s9 =	smul.u32 $0x280, s4;
	s4 =	sadd.s32 $0x59C00, s8;
	s13 =	sshrl.u32 s10, $0x1  }
0xc: {  	s11 =	sshrl.u32 s11, $0x2;
	s10 =	ssub.s32 s10, s13;
	s13 =	simm.s32 $0x7E00  }
0xd: {  	s11 =	sadd.s32 s11, s2;
	s12 =	sadd.s32 s9, s8;
	s13 =	simm.s32 @!p0 $0x81400  }
0xe: {  	s7 =	sadd.s32 s7, s9;
	s9 =	smax.u32 s10, $0x1;
	s11 =	sshrl.u32 s11, $0x3  }
0xf: {  	s13 =	sadd.s32 s13, s8;
	s8 =	sadd.s32 $0x2E00, s12;
	s12 =	simm.s32 $0x3  }
0x10: {  	s10 =	sadd.s32 s13, s14;
	s13 =	simm.s32 $0x1400;
	s14 =	simm.s32 $0x80  }
.LBB2_1:
0x11: {  	[spmem:s11], [sflag:s6] =	dma.local [hbm:s5], $0x2780  }
0x12: {  	_ =	swait.ge [sflag:s12], $0x2780  }
0x13: {  	[sflag:s12] =	ssyncset.done $0x0  }
0x14: {  	[sflag:s12] =	ssyncadd.s32 $0xFFFFD880  }
0x15: {  	[bflag:$0x0] =	sbarrier.arrive $0xFFFF  }
0x16: {  	[tilespmem:s3], [sflag:$0x3] =	stream.linear.gather [hbm4b:s7+s3], $0x1400, $0x38;
	[tilespmem:$0x1E400] =	vst v63  }
0x17: {  	_ =	swait.ge [sflag:s12], $0x1400  }
0x18: {  	[sflag:s12] =	ssyncset.done $0x0  }
0x19: {  	[sflag:s12] =	ssyncadd.s32 $0xFFFFEC00  }
0x1a: {  	[tilespmem:s13], [sflag:$0x3] =	stream.linear.gather [hbm4b:s8+s3], $0x1400, $0x38;
	[tilespmem:$0x1E400] =	vst v63  }
0x1b: {  	_ =	swait.ge [sflag:s12], $0x1400  }
0x1c: {  	[sflag:s12] =	ssyncset.done $0x0  }
0x1d: {  	[sflag:s12] =	ssyncadd.s32 $0xFFFFEC00  }
0x1e: {  	[tilespmem:s15], [sflag:$0x1] =	stream.indirect.gather [hbm4b:s4+s14], $0x80, s3, s14, $0xb8;
	[tilespmem:$0x1E400] =	vst v63  }
0x1f: {  	s23 =	simm.s32 $0x80  }
0x20: {  	[tilespmem:s16], [sflag:$0x2] =	stream.indirect.gather [hbm4b:s4+s14], $0x80, s23, s14, $0xb8;
	[tilespmem:$0x1E400] =	vst v63  }
0x21: {  	_ =	swait.ge [sflag:s17], $0x4000  }
0x22: {  	[sflag:s17] =	ssyncset.done $0x0  }
0x23: {  	s29 =	simm.s32 $0x1400;
	[sflag:s17] =	ssyncadd.s32 $0xFFFFC000  }
0x24: {  	[spmem:s2] =	stream.indirect.scatter.add.f32 [tilespmem:s15], [sflag:$0x3], $0x80, s29, s14, $0xb8;
	[tilespmem:$0x1E400] =	vst v63  }
0x25: {  	_ =	swait.ge [sflag:s12], $0x4000  }
0x26: {  	[sflag:s12] =	ssyncset.done $0x0  }
0x27: {  	s30 =	simm.s32 $0x100;
	[sflag:s12] =	ssyncadd.s32 $0xFFFFC000  }
0x28: {  	[tilespmem:s15], [sflag:$0x1] =	stream.indirect.gather [hbm4b:s4+s14], $0x80, s30, s14, $0xb8;
	[tilespmem:$0x1E400] =	vst v63  }
0x29: {  	_ =	swait.ge [sflag:s18], $0x4000  }
0x2a: {  	[sflag:s18] =	ssyncset.done $0x0  }
0x2b: {  	s31 =	simm.s32 $0x1480;
	[sflag:s18] =	ssyncadd.s32 $0xFFFFC000  }
0x2c: {  	[spmem:s2] =	stream.indirect.scatter.add.f32 [tilespmem:s16], [sflag:$0x3], $0x80, s31, s14, $0xb8;
	[tilespmem:$0x1E400] =	vst v63  }
0x2d: {  	_ =	swait.ge [sflag:s12], $0x4000  }
0x2e: {  	s24 =	simm.s32 $0x800;
	s23 =	simm.s32 $0x100;
	[sflag:s12] =	ssyncset.done $0x0  }
.LBB2_2:
0x2f: {  	s25 =	sadd.s32 $0x80, s23  }
0x30: {  	[sflag:s12] =	ssyncadd.s32 $0xFFFFC000;
	s26 =	smov.u32 s24;
	s28 =	sadd.s32 $0x400, s24  }
0x31: {  	[tilespmem:s16], [sflag:$0x2] =	stream.indirect.gather [hbm4b:s4+s14], $0x80, s25, s14, $0xb8;
	[tilespmem:$0x1E400] =	vst v63  }
0x32: {  	p0 =	sne.s32 s24, $0x4800;
	_ =	swait.ge [sflag:s17], $0x4000  }
0x33: {  	[sflag:s17] =	ssyncset.done $0x0  }
0x34: {  	s24 =	sadd.s32 $0x1400, s23;
	[sflag:s17] =	ssyncadd.s32 $0xFFFFC000  }
0x35: {  	[spmem:s2] =	stream.indirect.scatter.add.f32 [tilespmem:s15], [sflag:$0x3], $0x80, s24, s14, $0xb8;
	[tilespmem:$0x1E400] =	vst v63  }
0x36: {  	_ =	swait.ge [sflag:s12], $0x4000  }
0x37: {  	[sflag:s12] =	ssyncset.done $0x0  }
0x38: {  	s24 =	sadd.s32 $0x100, s23;
	[sflag:s12] =	ssyncadd.s32 $0xFFFFC000  }
0x39: {  	[tilespmem:s15], [sflag:$0x1] =	stream.indirect.gather [hbm4b:s4+s14], $0x80, s24, s14, $0xb8;
	[tilespmem:$0x1E400] =	vst v63  }
0x3a: {  	_ =	swait.ge [sflag:s18], $0x4000  }
.Ltmp0:
0x3b: {  	[sflag:s18] =	ssyncset.done $0x0;
	(pc) =	sbr.rel @p0 .LBB2_2-.Ltmp0, $4  }
0x3c: {  	s23 =	sadd.s32 $0x1480, s23;
	[sflag:s18] =	ssyncadd.s32 $0xFFFFC000  }
0x3d: {  	[spmem:s2] =	stream.indirect.scatter.add.f32 [tilespmem:s16], [sflag:$0x3], $0x80, s23, s14, $0xb8;
	[tilespmem:$0x1E400] =	vst v63  }
0x3e: {  	_ =	swait.ge [sflag:s12], $0x4000  }
0x3f: {  	s24 =	smov.u32 s28;
	s23 =	sshra.s32 s26, $0x2;
	[sflag:s12] =	ssyncset.done $0x0  }
0x40: {  	s24 =	sadd.s32 $0x80, s23;
	[sflag:s12] =	ssyncadd.s32 $0xFFFFC000  }
0x41: {  	[tilespmem:s16], [sflag:$0x2] =	stream.indirect.gather [hbm4b:s4+s14], $0x80, s24, s14, $0xb8;
	[tilespmem:$0x1E400] =	vst v63  }
0x42: {  	_ =	swait.ge [sflag:s17], $0x4000  }
0x43: {  	[sflag:s17] =	ssyncset.done $0x0  }
0x44: {  	s29 =	sadd.s32 $0x1400, s23;
	[sflag:s17] =	ssyncadd.s32 $0xFFFFC000  }
0x45: {  	[spmem:s2] =	stream.indirect.scatter.add.f32 [tilespmem:s15], [sflag:$0x3], $0x80, s29, s14, $0xb8;
	[tilespmem:$0x1E400] =	vst v63  }
0x46: {  	_ =	swait.ge [sflag:s12], $0x4000  }
0x47: {  	[sflag:s12] =	ssyncset.done $0x0  }
0x48: {  	s30 =	sadd.s32 $0x100, s23;
	[sflag:s12] =	ssyncadd.s32 $0xFFFFC000  }
0x49: {  	[tilespmem:s15], [sflag:$0x1] =	stream.indirect.gather [hbm4b:s4+s14], $0x80, s30, s14, $0xb8;
	[tilespmem:$0x1E400] =	vst v63  }
0x4a: {  	_ =	swait.ge [sflag:s18], $0x4000  }
0x4b: {  	[sflag:s18] =	ssyncset.done $0x0  }
0x4c: {  	s31 =	sadd.s32 $0x1480, s23;
	[sflag:s18] =	ssyncadd.s32 $0xFFFFC000  }
0x4d: {  	[spmem:s2] =	stream.indirect.scatter.add.f32 [tilespmem:s16], [sflag:$0x3], $0x80, s31, s14, $0xb8;
	[tilespmem:$0x1E400] =	vst v63  }
0x4e: {  	_ =	swait.ge [sflag:s12], $0x4000  }
0x4f: {  	[sflag:s12] =	ssyncset.done $0x0  }
0x50: {  	[sflag:s12] =	ssyncadd.s32 $0xFFFFC000  }
0x51: {  	[tilespmem:s16], [sflag:$0x2] =	stream.indirect.gather [hbm4b:s4+s14], $0x80, s19, s14, $0xb8;
	[tilespmem:$0x1E400] =	vst v63  }
0x52: {  	_ =	swait.ge [sflag:s17], $0x4000  }
0x53: {  	[sflag:s17] =	ssyncset.done $0x0  }
0x54: {  	[sflag:s17] =	ssyncadd.s32 $0xFFFFC000  }
0x55: {  	[spmem:s2] =	stream.indirect.scatter.add.f32 [tilespmem:s15], [sflag:$0x3], $0x80, s20, s14, $0xb8;
	[tilespmem:$0x1E400] =	vst v63  }
0x56: {  	_ =	swait.ge [sflag:s12], $0x4000  }
0x57: {  	[sflag:s12] =	ssyncset.done $0x0  }
0x58: {  	[sflag:s12] =	ssyncadd.s32 $0xFFFFC000  }
0x59: {  	_ =	swait.ge [sflag:s18], $0x4000  }
0x5a: {  	[sflag:s18] =	ssyncset.done $0x0  }
0x5b: {  	[sflag:s18] =	ssyncadd.s32 $0xFFFFC000  }
0x5c: {  	[spmem:s2] =	stream.indirect.scatter.add.f32 [tilespmem:s16], [sflag:$0x3], $0x80, s21, s14, $0xb8;
	[tilespmem:$0x1E400] =	vst v63  }
0x5d: {  	_ =	swait.ge [sflag:s12], $0x4000  }
0x5e: {  	s22 =	sadd.s32 $0x1, s22;
	[sflag:s12] =	ssyncset.done $0x0  }
0x5f: {  	p0 =	sne.s32 s22, s9;
	[sflag:s12] =	ssyncadd.s32 $0xFFFFC000  }
.Ltmp1:
0x60: {  	[bflag:$0x0] =	sbarrier.arrive $0xFFFF;
	(pc) =	sbr.rel @p0 .LBB2_1-.Ltmp1, $4  }
0x61: {  	[hbm:s10], [sflag:s6] =	dma.local [spmem:s11], $0x2780  }
0x62: {  	_ =	swait.ge [sflag:s12], $0x2780  }
0x63: {  	[sflag:s12] =	ssyncset.done $0x0  }
0x64: {  	[sflag:s12] =	ssyncadd.s32 $0xFFFFD880  }
0x65: {  	_ =	sfence.sel $0x180000  }
0x66: {  	[bflag:$0x0] =	sbarrier.arrive $0xFFFF  }
0x67: {  	p0 =	sne.s32 s0, $0x0;
	_ =	strace $0x9000004D  }
0x68: {  	s0 =	sadd.s32 @!p0 $0x100000, s1;
	[bflag:$0x2] =	sbarrier.arrive $0xFFFF  }
0x69: {  	[sflag:s0] =	ssyncadd.tile.s32 @!p0 $0x1;
	_ =	shalt  }
.Lfunc_end2:
_tile_overlayer_lowered:
.L_overlay_start_2:
0x6a: {  	(tag) =	ssettag $0x2  }
0x6b: {  	s0 =	rddreg [dreg:$0x0];
	s2 =	stileid.u32  }
0x6c: {  	s1 =	rddreg [dreg:$0x1];
	p0 =	sne.s32 s2, $0x0  }
0x6d: {  	s3 =	rddreg [dreg:$0x2];
	[bflag:$0x3] =	sbarrier.arrive $0xFFFF;
	s2 =	simm.s32 @!p0 $0x1C03  }
0x6e: {  	[timem:s3], [sflag:s2] =	dma.local @!p0 [hbm:s0], s1  }
0x6f: {  	s0 =	simm.s32 @!p0 $0x3  }
0x70: {  	_ =	swait.ge @!p0 [sflag:s0], s1  }
0x71: {  	s1 =	ssub.s32 @!p0 $0x0, s1;
	[sflag:s0] =	ssyncset.done @!p0 $0x0  }
0x72: {  	[sflag:s0] =	ssyncadd.s32 @!p0 s1  }
0x73: {  	[bflag:$0x3] =	sbarrier.arrive $0xFFFF  }
0x74: {  	_ =	shalt  }

// kernel: kernel.7.cloned.1.call-start
scs
__scs_entry_jumppad:
0x0: {  	(pc) =	sbr.rel $0x88, $3  }
0x1: {  	(tag) =	ssettag $0x0;
	lr =	simm.s32 $0x1  }
0x2: {  	[smem:$0x3F99] =	sst lr;
	_ =	strace $0xD0000000  }
0x3: {  	_ = 	snop  }
0x4: {  	_ = 	snop  }
0x5: {  	_ = 	snop  }
0x6: {  	_ = 	snop  }
0x7: {  	_ = 	snop  }
__scs_overlays_trampoline_lowered:
0x8: {  	[smem:$0x3FA8] =	sst s0  }
0x9: {  	[smem:$0x3FA9] =	sst s1  }
0xa: {  	[smem:$0x3FAA] =	sst s2  }
0xb: {  	[smem:$0x3FAB] =	sst s3  }
0xc: {  	[smem:$0x3FAC] =	sst s4  }
0xd: {  	[smem:$0x3FAD] =	sst s5  }
0xe: {  	[smem:$0x3FAE] =	sst s6  }
0xf: {  	[smem:$0x3FAF] =	sst s7  }
0x10: {  	[smem:$0x3FB0] =	sst s8  }
0x11: {  	[smem:$0x3FB1] =	sst s9;
	s0 =	simm.s32 @!p0 $0x0  }
0x12: {  	s1 =	sld [smem:$0x3F97];
	s0 =	simm.s32 @p0 $0x1  }
0x13: {  	[smem:$0x3FB2] =	sst s0;
	s0 =	simm.s32 @!p1 $0x0  }
0x14: {  	s2 =	sld [smem:$0x3F96];
	s0 =	simm.s32 @p1 $0x1  }
0x15: {  	[smem:$0x3FB3] =	sst s0;
	s0 =	simm.s32 @!p2 $0x0  }
0x16: {  	s3 =	sld [smem:$0x3FDB];
	s0 =	simm.s32 @p2 $0x1  }
0x17: {  	s4 =	simm.s32 $0x1BF5;
	[smem:$0x3FB5] =	sst s0  }
0x18: {  	s0 =	sld [smem:$0x3F98];
	_ =	swait.ge [sflag:s4], $0x0  }
0x19: {  	s7 =	sld [smem:$0x3F99]  }
0x1a: {  	s8 =	sadd.s32 $0xFFFFE003, lr  }
0x1b: {  	s9 =	sadd.s32 $0xFFFFFEF7, lr;
	s5 =	simm.s32 $0xFFFFFFFF;
	p2 =	slt.u32 s8, $0xFFFFF086  }
0x1c: {  	p1 =	slt.u32 s9, $0xF7A;
	s5 =	simm.s32 @!p2 $0x0  }
0x1d: {  	s5 =	simm.s32 @p1 $0x1;
	p0 =	seq.s32 s7, s2  }
0x1e: {  	s7 =	smul.u32 @!p0 $0xF7A, s2;
	p2 =	seq.s32 @!p0 s5, $0x0  }
0x1f: {  	s9 =	smul.u32 $0xF7A, s1;
	s8 =	simm.s32 @!p0 $0x1BF5;
	p2 =	por !p2, p0  }
0x20: {  	[sflag:s8] =	ssyncset.s32 @!p0 $0xFFFFF086;
	s6 =	sadd.s32 @!p0 s3, s7;
	s7 =	simm.s32 @!p0 $0x108  }
0x21: {  	s3 =	sadd.s32 s3, s9;
	s6 =	sadd.s32 @!p0 $0x88, s6;
	s7 =	simm.s32 @p2 $0x1082  }
0x22: {  	[simem:s7], [sflag:s8] =	dma.local @!p0 [hbm:s6], $0xF7A  }
0x23: {  	s9 =	sor.u32 $0xD0000000, s2;
	s6 =	simm.s32 $0x108;
	_ =	swait.ge @!p0 [sflag:s8], $0x0  }
0x24: {  	s3 =	sadd.s32 $0x88, s3;
	s6 =	simm.s32 @!p1 $0x1082;
	[sflag:s4] =	ssyncset.s32 $0xFFFFF086  }
0x25: {  	[simem:s6], [sflag:s4] =	dma.local [hbm:s3], $0xF7A  }
0x26: {  	[smem:$0x3F99] =	sst s1;
	(tag) =	ssettag s2;
	_ =	strace s9  }
0x27: {  	s1 =	sld [smem:$0x3FA9]  }
0x28: {  	s2 =	sld [smem:$0x3FAA]  }
0x29: {  	s4 =	sld [smem:$0x3FAC]  }
0x2a: {  	p0 =	seq.s32 s5, $0x0;
	s5 =	sld [smem:$0x3FAD]  }
0x2b: {  	s6 =	sld [smem:$0x3FAE]  }
0x2c: {  	s7 =	sld [smem:$0x3FAF]  }
0x2d: {  	s3 =	simm.s32 $0x108;
	s8 =	sld [smem:$0x3FB0]  }
0x2e: {  	s3 =	simm.s32 @!p0 $0x1082;
	s9 =	sld [smem:$0x3FB1]  }
0x2f: {  	lr =	sadd.s32 s0, s3;
	s0 =	sld [smem:$0x3FA8]  }
0x30: {  	s3 =	sld [smem:$0x3FAB]  }
0x31: {  	[smem:$0x3FB4] =	sst s10  }
0x32: {  	s10 =	sld [smem:$0x3FB2];
	_ =	sdelay $0x3  }
0x33: {  	p0 =	seq.s32 s10, $0x1;
	s10 =	sld [smem:$0x3FB4];
	_ =	sdelay $0x3  }
0x34: {  	[smem:$0x3FB4] =	sst s10  }
0x35: {  	s10 =	sld [smem:$0x3FB3];
	_ =	sdelay $0x3  }
0x36: {  	p1 =	seq.s32 s10, $0x1;
	s10 =	sld [smem:$0x3FB4];
	_ =	sdelay $0x3  }
0x37: {  	[smem:$0x3FB4] =	sst s10  }
0x38: {  	s10 =	sld [smem:$0x3FB5]  }
0x39: {  	_ = 	snop;
	(pc) =	sbr.ind lr, $3  }
0x3a: {  	_ = 	snop  }
0x3b: {  	_ = 	snop  }
0x3c: {  	p2 =	seq.s32 s10, $0x1;
	s10 =	sld [smem:$0x3FB4]  }
0x3d: {  	_ =	shalt  }
0x3e: {  	_ =	shalt  }
0x3f: {  	_ =	shalt  }
0x40: {  	_ =	shalt  }
0x41: {  	_ =	shalt  }
0x42: {  	_ =	shalt  }
0x43: {  	_ =	shalt  }
0x44: {  	_ =	shalt  }
0x45: {  	_ =	shalt  }
0x46: {  	_ =	shalt  }
0x47: {  	_ =	shalt  }
0x48: {  	_ =	shalt  }
0x49: {  	_ =	shalt  }
0x4a: {  	_ =	shalt  }
0x4b: {  	_ =	shalt  }
0x4c: {  	_ =	shalt  }
0x4d: {  	_ =	shalt  }
0x4e: {  	_ =	shalt  }
0x4f: {  	_ =	shalt  }
0x50: {  	_ =	shalt  }
0x51: {  	_ =	shalt  }
0x52: {  	_ =	shalt  }
0x53: {  	_ =	shalt  }
0x54: {  	_ =	shalt  }
0x55: {  	_ =	shalt  }
0x56: {  	_ =	shalt  }
0x57: {  	_ =	shalt  }
0x58: {  	_ =	shalt  }
0x59: {  	_ =	shalt  }
0x5a: {  	_ =	shalt  }
0x5b: {  	_ =	shalt  }
0x5c: {  	_ =	shalt  }
0x5d: {  	_ =	shalt  }
0x5e: {  	_ =	shalt  }
0x5f: {  	_ =	shalt  }
0x60: {  	_ =	shalt  }
0x61: {  	_ =	shalt  }
0x62: {  	_ =	shalt  }
0x63: {  	_ =	shalt  }
0x64: {  	_ =	shalt  }
0x65: {  	_ =	shalt  }
0x66: {  	_ =	shalt  }
0x67: {  	_ =	shalt  }
0x68: {  	_ =	shalt  }
0x69: {  	_ =	shalt  }
0x6a: {  	_ =	shalt  }
0x6b: {  	_ =	shalt  }
0x6c: {  	_ =	shalt  }
0x6d: {  	_ =	shalt  }
0x6e: {  	_ =	shalt  }
0x6f: {  	_ =	shalt  }
0x70: {  	_ =	shalt  }
0x71: {  	_ =	shalt  }
0x72: {  	_ =	shalt  }
0x73: {  	_ =	shalt  }
0x74: {  	_ =	shalt  }
0x75: {  	_ =	shalt  }
0x76: {  	_ =	shalt  }
0x77: {  	_ =	shalt  }
0x78: {  	_ =	shalt  }
0x79: {  	_ =	shalt  }
0x7a: {  	_ =	shalt  }
0x7b: {  	_ =	shalt  }
0x7c: {  	_ =	shalt  }
0x7d: {  	_ =	shalt  }
0x7e: {  	_ =	shalt  }
0x7f: {  	_ =	shalt  }
0x80: {  	_ =	shalt  }
0x81: {  	_ =	shalt  }
0x82: {  	_ =	shalt  }
0x83: {  	_ =	shalt  }
0x84: {  	_ =	shalt  }
0x85: {  	_ =	shalt  }
0x86: {  	_ =	shalt  }
0x87: {  	_ =	shalt  }
.Lfunc_end0:
.L_simem_size_0:
called_computation_lowered:
.L_overlay_start_0:
0x88: {  	s2 =	sld [smem:$0x3FD9]  }
0x89: {  	s3 =	sld [smem:$0x3FFE];
	_ =	sdelay $0x1  }
0x8a: {  	s1 =	srdreg.scid  }
0x8b: {  	s0 =	sand.u32 $0x1, s1  }
0x8c: {  	s16 =	sshll.u32 s0, $0xA;
	s2 =	sadd.s32 s3, s2  }
0x8d: {  	s2 =	sadd.s32 s2, s16  }
0x8e: {  	[smem:$0x3FC0] =	sst s2  }
0x8f: {  	_ = 	snop  }
0x90: {  	(tm) =	ssettm $0x1  }
0x91: {  	s17 =	sld [smem:$0x3FFB];
	_ =	sdelay $0x3  }
0x92: {  	_ =	strace s17  }
0x93: {  	s2 =	sld [smem:$0x3FFC];
	_ =	sdelay $0x3  }
0x94: {  	_ =	strace s2  }
0x95: {  	s2 =	sld [smem:$0x3FFD];
	_ =	sdelay $0x3  }
0x96: {  	_ =	strace s2  }
0x97: {  	_ =	strace $0x8FFFFFFF  }
0x98: {  	s18 =	sld [smem:$0x3FDB];
	_ =	sdelay $0x1  }
0x99: {  	s19 =	simm.s32 $_scs_section_size  }
0x9a: {  	s4 =	simm.s32 $_size__tile_overlayer_lowered;
	s5 =	simm.s32 $_tile_overlayer_lowered  }
0x9b: {  	s22 =	simm.s32 $0x1BFF;
	s21 =	sshll.u32 s5, $0x1;
	s2 =	sadd.s32 s19, s18  }
0x9c: {  	s6 =	simm.s32 $0x0;
	s20 =	sshll.u32 s4, $0x1;
	s4 =	sadd.s32 s21, s2  }
0x9d: {  	[timem:s6], [sflag:s22] =	dma.local [hbm:s4], s20  }
0x9e: {  	_ =	swait.ge [sflag:s22], s20  }
0x9f: {  	s3 =	ssub.s32 $0x0, s20;
	[sflag:s22] =	ssyncset.done $0x0  }
0xa0: {  	[sflag:s22] =	ssyncadd.s32 s3;
	_ =	sdelay $0x1  }
0xa1: {  	s23 =	simm.s32 $0x1B8B  }
0xa2: {  	_ =	swait.ge [sflag:s23], $0x1  }
0xa3: {  	[sflag:s23] =	ssyncset.done $0x0  }
0xa4: {  	s25 =	simm.s32 $0x1B8E;
	s24 =	sld [smem:$0x3FFE];
	[sflag:s23] =	ssyncadd.s32 $0xFFFFFFFF  }
0xa5: {  	s26 =	simm.s32 $execute0_lowered;
	[smem:$0x3FD2] =	sst s25  }
0xa6: {  	s4 =	sshll.u32 s26, $0x1;
	_ =	strace $0x80000046;
	[dreg:$0x1] =	wrdreg $0xFFFFFFFF  }
0xa7: {  	s28 =	simm.s32 $_size_execute0_lowered;
	s2 =	sadd.s32 s2, s4;
	[dreg:$0x0] =	wrdreg $0x0  }
0xa8: {  	s4 =	sshll.u32 s28, $0x1;
	[dreg:$0x2] =	wrdreg s2  }
0xa9: {  	[dreg:$0x3] =	wrdreg s4  }
0xaa: {  	[dreg:$0x4] =	wrdreg $0xC0  }
0xab: {  	_ =	task [dreg:s6], $0x5FFFF  }
0xac: {  	[dreg:$0x1] =	wrdreg $0xFFFFFFFF  }
0xad: {  	[dreg:$0x0] =	wrdreg $0x60  }
0xae: {  	[dreg:$0x2] =	wrdreg s24  }
0xaf: {  	[dreg:$0x3] =	wrdreg $0x3C800  }
0xb0: {  	[dreg:$0x4] =	wrdreg $0x9  }
0xb1: {  	_ =	task.clear_ibuf [dreg:s6], $0x5FFFF;
	_ =	strace $0x90000046  }
0xb2: {  	s29 =	simm.s32 $0x9;
	_ =	strace $0x80000048  }
0xb3: {  	_ =	swait.ge [sflag:s29], $0x1  }
0xb4: {  	[sflag:s29] =	ssyncadd.s32 $0xFFFFFFFF  }
0xb5: {  	_ =	strace $0x90000048  }
0xb6: {  	_ =	sfence  }
0xb7: {  	s30 =	sld [smem:$0x0];
	_ =	sdelay $0x2  }
0xb8: {  	s31 =	sshll.u32 s1, $0xD;
	s1 =	sshrl.u32 s1, $0x2  }
0xb9: {  	s3 =	sand.u32 $0x4000, s31;
	s1 =	sadd.s32 s1, s30  }
0xba: {  	s0 =	sor.u32 s3, s0;
	s1 =	sshll.u32 s1, $0x11  }
0xbb: {  	s0 =	sor.u32 s1, s0  }
0xbc: {  	s0 =	sadd.s32 $0x8F2B, s0  }
0xbd: {  	[sflag:s0] =	ssyncadd.remote.s32 $0x1  }
0xbe: {  	_ =	sfence.sel $0xFFFF  }
0xbf: {  	[dreg:$0x0] =	wrdreg $0xFFFFFFFF;
	(pc) =	sbr.abs _section_cstart, $3  }
0xc0: {  	[dreg:$0x1] =	wrdreg $0xFFFFFFFF  }
0xc1: {  	_ =	task.clear_ibuf [dreg:s6], $0x2FFFF;
	_ =	strace $0x9FFFFFFF  }
0xc2: {  	(tm) =	ssettm $0x7FFFFFFF  }
0xc3: {  	_ =	shalt  }
tec
execute0_lowered:
.L_overlay_start_1:
0x0: {  	(tag) =	ssettag $0x1  }
0x1: {  	s0 =	srdreg.scid;
	s5 =	rddreg [dreg:$0x0]  }
0x2: {  	s11 =	stileid.u32;
	s1 =	rddreg [dreg:$0x1];
	s2 =	simm.s32 $0x0  }
0x3: {  	s12 =	simm.s32 $0x3C00;
	s7 =	sand.u32 $0x1, s0;
	s0 =	rddreg [dreg:$0x2]  }
0x4: {  	s16 =	simm.s32 $0x0;
	s30 =	sshll.u32 s11, $0x1;
	[smem:$0x7FF] =	sst s2  }
0x5: {  	s4 =	sadd.s32 $0x8A00, s5;
	p0 =	seq.s32 s11, $0x0;
	s3 =	sor.u32 s7, s30  }
0x6: {  	_ =	strace $0x80000047;
	s8 =	ssub.s32 $0x2, s7;
	p1 =	seq.s32 s7, $0x1  }
0x7: {  	s31 =	sor.u32 s11, s7;
	s3 =	smul.u32 $0x280, s3;
	s9 =	sshrl.u32 s8, $0x1  }
0x8: {  	p0 =	por !p0, !p1;
	p2 =	sne.s32 s31, $0x0;
	s8 =	ssub.s32 s8, s9  }
0x9: {  	p1 =	por !p0, !p0;
	p0 =	sne.s32 s11, $0x0;
	s9 =	simm.s32 $0x1400  }
0xa: {  	s13 =	sshll.u32 @!p2 s11, $0x6;
	s11 =	simm.s32 $0x50;
	s14 =	sshrl.u32 @!p2 s1, $0x3  }
0xb: {  	v0 =	vlaneseq.u32;
	s6 =	sadd.s32 s3, s5;
	s3 =	sadd.s32 $0x7E00, s5;
	s5 =	sadd.s32 $0x8400, s5  }
0xc: {  	v5 =	vimm.f32 $1.000000000e+00;
	v1 =	vor.u32 $0x10, v0;
	s7 =	smax.u32 s8, $0x1;
	s8 =	simm.s32 $0x1;
	s10 =	sshrl.u32 @!p0 s1, $0x3  }
0xd: {  	v2 =	vor.u32 $0x20, v0;
	v3 =	vor.u32 $0x30, v0;
	v4 =	vor.u32 $0x40, v0;
	s13 =	sor.u32 @!p2 $0x1C01, s13;
	s15 =	sshrl.u32 @p1 s1, $0x3;
	s6 =	sadd.s32 $0x2E00, s6  }
.LBB2_1:
0xe: {  	[tilespmem:s2], [sflag:$0x1] =	stream.linear.gather [hbm4b:s6+s2], $0x1400, $0x38;
	[tilespmem:$0x3F00] =	vst v63  }
0xf: {  	_ =	swait.ge [sflag:s8], $0x1400  }
0x10: {  	[sflag:s8] =	ssyncset.done $0x0  }
0x11: {  	[sflag:s8] =	ssyncadd.s32 $0xFFFFEC00  }
0x12: {  	[tilespmem:s9], [sflag:$0x1] =	stream.linear.gather [hbm4b:s3+s2], $0x2800, $0x38;
	[tilespmem:$0x3F00] =	vst v63  }
0x13: {  	_ =	swait.ge [sflag:s8], $0x2800  }
0x14: {  	[sflag:s8] =	ssyncset.done $0x0  }
0x15: {  	[sflag:s8] =	ssyncadd.s32 $0xFFFFD800  }
0x16: {  	[tilespmem:$0x3C00] =	vst v0  }
0x17: {  	[tilespmem:$0x3C10] =	vst v1  }
0x18: {  	[tilespmem:$0x3C20] =	vst v2  }
0x19: {  	[tilespmem:$0x3C30] =	vst v3  }
0x1a: {  	s17 =	simm.s32 @!p0 $0x1C01;
	[tilespmem:$0x3C40] =	vst v4  }
0x1b: {  	[spmem:s10], [sflag:s17] =	dma.local @!p0 [hbm:s3], $0x500  }
0x1c: {  	s17 =	simm.s32 @!p0 $0x1  }
0x1d: {  	_ =	swait.ge @!p0 [sflag:s17], $0x500  }
0x1e: {  	[sflag:s17] =	ssyncset.done @!p0 $0x0  }
0x1f: {  	[sflag:s17] =	ssyncadd.s32 @!p0 $0xFFFFFB00  }
0x20: {  	s17 =	simm.s32 $0x0;
	[bflag:$0x0] =	sbarrier.arrive $0xFFFF  }
.LBB2_2:
0x21: {  	s18 =	sshra.s32 s17, $0x2  }
0x22: {  	v6 =	vld [tilespmem:s18+$0x0];
	_ =	sdelay $0x7  }
0x23: {  	[tilespmem:v6+s9+$0x0] =	vst.idx.add.f32.msk $0xffff, v5  }
0x24: {  	v6 =	vld [tilespmem:s18+$0x10];
	_ =	sdelay $0x7  }
0x25: {  	[tilespmem:v6+s9+$0x0] =	vst.idx.add.f32.msk $0xffff, v5  }
0x26: {  	v6 =	vld [tilespmem:s18+$0x20];
	_ =	sdelay $0x7  }
0x27: {  	[tilespmem:v6+s9+$0x0] =	vst.idx.add.f32.msk $0xffff, v5  }
0x28: {  	v6 =	vld [tilespmem:s18+$0x30];
	_ =	sdelay $0x7  }
0x29: {  	[tilespmem:v6+s9+$0x0] =	vst.idx.add.f32.msk $0xffff, v5  }
0x2a: {  	v6 =	vld [tilespmem:s18+$0x40];
	_ =	sdelay $0x7  }
0x2b: {  	[tilespmem:v6+s9+$0x0] =	vst.idx.add.f32.msk $0xffff, v5  }
0x2c: {  	v6 =	vld [tilespmem:s18+$0x50];
	_ =	sdelay $0x7  }
0x2d: {  	[tilespmem:v6+s9+$0x0] =	vst.idx.add.f32.msk $0xffff, v5  }
0x2e: {  	v6 =	vld [tilespmem:s18+$0x60];
	_ =	sdelay $0x7  }
0x2f: {  	[tilespmem:v6+s9+$0x0] =	vst.idx.add.f32.msk $0xffff, v5  }
0x30: {  	v6 =	vld [tilespmem:s18+$0x70];
	_ =	sdelay $0x2  }
0x31: {  	p3 =	sne.s32 s17, $0x4E00  }
.Ltmp0:
0x32: {  	_ = 	snop;
	(pc) =	sbr.rel @p3 .LBB2_2-.Ltmp0, $2  }
0x33: {  	_ =	sdelay $0x2  }
0x34: {  	s17 =	sadd.s32 $0x200, s17;
	[tilespmem:v6+s9+$0x0] =	vst.idx.add.f32.msk $0xffff, v5  }
0x35: {  	[spmem:s1] =	stream.indirect.scatter.add.f32 [tilespmem:s9], [sflag:$0x1], $0x80, s12, s11, $0xb8;
	[tilespmem:$0x3F00] =	vst v63  }
0x36: {  	_ =	swait.ge [sflag:s8], $0x2800  }
0x37: {  	[sflag:s8] =	ssyncset.done $0x0  }
0x38: {  	[sflag:s8] =	ssyncadd.s32 $0xFFFFD800  }
0x39: {  	s17 =	simm.s32 @!p2 $0x1;
	[bflag:$0x0] =	sbarrier.arrive $0xFFFF  }
0x3a: {  	[hbm:s4], [sflag:s13] =	dma.local @!p2 [spmem:s14], $0x500  }
0x3b: {  	_ =	swait.ge @!p2 [sflag:s17], $0x500  }
0x3c: {  	s16 =	sadd.s32 $0x1, s16;
	[sflag:s17] =	ssyncset.done @!p2 $0x0  }
0x3d: {  	p3 =	sne.s32 s16, s7;
	[sflag:s17] =	ssyncadd.s32 @!p2 $0xFFFFFB00;
	s17 =	simm.s32 @p1 $0x1C01  }
0x3e: {  	[hbm:s5], [sflag:s17] =	dma.local @p1 [spmem:s15], $0x500  }
.Ltmp1:
0x3f: {  	_ = 	snop;
	(pc) =	sbr.rel @p3 .LBB2_1-.Ltmp1, $4  }
0x40: {  	s17 =	simm.s32 @p1 $0x1  }
0x41: {  	_ =	swait.ge @p1 [sflag:s17], $0x500  }
0x42: {  	[sflag:s17] =	ssyncset.done @p1 $0x0  }
0x43: {  	[sflag:s17] =	ssyncadd.s32 @p1 $0xFFFFFB00  }
0x44: {  	_ =	sfence.sel $0x180000  }
0x45: {  	[bflag:$0x0] =	sbarrier.arrive $0xFFFF  }
0x46: {  	_ =	strace $0x90000047  }
0x47: {  	s0 =	sadd.s32 @!p0 $0x100000, s0;
	[bflag:$0x2] =	sbarrier.arrive $0xFFFF  }
0x48: {  	[sflag:s0] =	ssyncadd.tile.s32 @!p0 $0x1;
	_ =	shalt  }
.Lfunc_end2:
_tile_overlayer_lowered:
.L_overlay_start_2:
0x49: {  	(tag) =	ssettag $0x2  }
0x4a: {  	s0 =	rddreg [dreg:$0x0];
	s2 =	stileid.u32  }
0x4b: {  	s1 =	rddreg [dreg:$0x1];
	p0 =	sne.s32 s2, $0x0  }
0x4c: {  	s3 =	rddreg [dreg:$0x2];
	[bflag:$0x3] =	sbarrier.arrive $0xFFFF;
	s2 =	simm.s32 @!p0 $0x1C01  }
0x4d: {  	[timem:s3], [sflag:s2] =	dma.local @!p0 [hbm:s0], s1  }
0x4e: {  	s0 =	simm.s32 @!p0 $0x1  }
0x4f: {  	_ =	swait.ge @!p0 [sflag:s0], s1  }
0x50: {  	s1 =	ssub.s32 @!p0 $0x0, s1;
	[sflag:s0] =	ssyncset.done @!p0 $0x0  }
0x51: {  	[sflag:s0] =	ssyncadd.s32 @!p0 s1  }
0x52: {  	[bflag:$0x3] =	sbarrier.arrive $0xFFFF  }
0x53: {  	_ =	shalt  }

</sc_bundles>
